<compile_context>
chip_gen: v7x
topology: tpu7x:2x2x1
jax: 0.10.2.dev20260603
libtpu: 0.0.44.dev20260713+nightly
codegen_flags: <defaults>
</compile_context>

<pallas_src>
import functools

import jax
import jax.numpy as jnp
from jax import lax
from jax.experimental import pallas as pl
from jax.experimental.pallas import tpu as pltpu
from jax.experimental.pallas import tpu_sc as plsc

N = 10000
E = 320000
D = 128
D_CAT = 3 * D
D_MLP_H = 256

NC = 2
NS = 16
NW = NC * NS
K = 128
CPW = 80
EPW = CPW * K
EP = NW * EPW
PADE = EP - E
MB = 1
NPAD = 10240
RPW = NPAD // NS
DEGW = 16

_HIGHEST = lax.Precision.HIGHEST


_SC_MESH = plsc.VectorSubcoreMesh(core_axis_name="c", subcore_axis_name="s")


KH = K // 2


def _copy_idx_half(idx_all, idx_v, c, off):
    for j in range(KH // 16):
        idx_v[pl.ds(j * 16, 16)] = idx_all[c, pl.ds(off + j * 16, 16)]


def _agg_phase(feats, src_all, dst_all, src_va, src_vb, dst_v, rows_v,
               acc_sh, sem_g):
    rows_a = rows_v.at[pl.ds(0, KH)]
    rows_b = rows_v.at[pl.ds(KH, KH)]

    @pl.loop(0, CPW)
    def _(c):
        _copy_idx_half(src_all, src_va, c, 0)
        ga = pltpu.async_copy(feats.at[src_va], rows_a, sem_g)
        _copy_idx_half(src_all, src_vb, c, KH)
        gb = pltpu.async_copy(feats.at[src_vb], rows_b, sem_g)
        _copy_idx_half(dst_all, dst_v, c, 0)
        ga.wait()
        pltpu.sync_copy(rows_a, acc_sh.at[dst_v], add=True)
        _copy_idx_half(dst_all, dst_v, c, KH)
        gb.wait()
        pltpu.sync_copy(rows_b, acc_sh.at[dst_v], add=True)


def _sc_agg_body(feats, srcr, dstr, zrows, out,
                 src_all, dst_all, src_va, src_vb, dst_v, rows_v, acc_sh,
                 sem_g):
    cid = lax.axis_index("c")
    sid = lax.axis_index("s")
    wid = sid * NC + cid

    pltpu.sync_copy(zrows, acc_sh.at[pl.ds(sid * RPW, RPW)])
    pltpu.sync_copy(srcr.at[wid], src_all)
    pltpu.sync_copy(dstr.at[wid], dst_all)
    plsc.subcore_barrier()

    _agg_phase(feats, src_all, dst_all, src_va, src_vb, dst_v, rows_v,
               acc_sh, sem_g)

    plsc.subcore_barrier()
    pltpu.sync_copy(acc_sh.at[pl.ds(sid * RPW, RPW)],
                    out.at[cid, pl.ds(sid * RPW, RPW)])


_sc_agg = pl.kernel(
    _sc_agg_body, mesh=_SC_MESH,
    out_type=jax.ShapeDtypeStruct((NC, NPAD, D), jnp.float32),
    scratch_types=[
        pltpu.VMEM((CPW, K), jnp.int32),
        pltpu.VMEM((CPW, K), jnp.int32),
        pltpu.VMEM((KH,), jnp.int32),
        pltpu.VMEM((KH,), jnp.int32),
        pltpu.VMEM((KH,), jnp.int32),
        pltpu.VMEM((K, D), jnp.float32),
        pltpu.VMEM_SHARED((NPAD, D), jnp.float32),
        pltpu.SemaphoreType.DMA,
    ])


def _sc_agg_deg_body(feats, srcr, dstr, zrows, ones, out, degout,
                     src_all, dst_all, src_va, src_vb, dst_v, rows_v,
                     acc_sh, sem_g):
    cid = lax.axis_index("c")
    sid = lax.axis_index("s")
    wid = sid * NC + cid
    myrows = pl.ds(sid * RPW, RPW)

    pltpu.sync_copy(zrows, acc_sh.at[myrows])
    pltpu.sync_copy(srcr.at[wid], src_all)
    pltpu.sync_copy(dstr.at[wid], dst_all)
    plsc.subcore_barrier()

    _agg_phase(feats, src_all, dst_all, src_va, src_vb, dst_v, rows_v,
               acc_sh, sem_g)
    plsc.subcore_barrier()
    pltpu.sync_copy(acc_sh.at[myrows], out.at[cid, myrows])

    pltpu.sync_copy(zrows, acc_sh.at[myrows])
    pltpu.sync_copy(ones, rows_v.at[pl.ds(0, KH)])
    plsc.subcore_barrier()

    @pl.loop(0, CPW)
    def _(c):
        _copy_idx_half(dst_all, dst_v, c, 0)
        pltpu.sync_copy(rows_v.at[pl.ds(0, KH)], acc_sh.at[dst_v], add=True)
        _copy_idx_half(dst_all, dst_v, c, KH)
        pltpu.sync_copy(rows_v.at[pl.ds(0, KH)], acc_sh.at[dst_v], add=True)

    plsc.subcore_barrier()
    pltpu.sync_copy(acc_sh.at[myrows], degout.at[cid, myrows])


_sc_agg_deg = pl.kernel(
    _sc_agg_deg_body, mesh=_SC_MESH,
    out_type=[jax.ShapeDtypeStruct((NC, NPAD, D), jnp.float32),
              jax.ShapeDtypeStruct((NC, NPAD, D), jnp.float32)],
    scratch_types=[
        pltpu.VMEM((CPW, K), jnp.int32),
        pltpu.VMEM((CPW, K), jnp.int32),
        pltpu.VMEM((KH,), jnp.int32),
        pltpu.VMEM((KH,), jnp.int32),
        pltpu.VMEM((KH,), jnp.int32),
        pltpu.VMEM((K, D), jnp.float32),
        pltpu.VMEM_SHARED((NPAD, D), jnp.float32),
        pltpu.SemaphoreType.DMA,
    ])


BR = 1000
G = N // BR
_EPS = 1e-5


def _row_spec(width):
    return pl.BlockSpec((BR, width), lambda i: (i, 0))


def _full_spec(r, c):
    return pl.BlockSpec((r, c), lambda i: (0, 0))


def _bn_scale(stats):
    mu = stats[0:1, :] * (1.0 / N)
    var = stats[1:2, :] * (1.0 / N) - mu * mu
    return mu, lax.rsqrt(var + _EPS)


def _sage_pre_body(p0, p1, d0, d1, feats, Wl, Wr, b, hpre, stats, ssum, ssq):
    i = pl.program_id(0)
    agg = p0[...] + p1[...]
    deg = jnp.maximum(d0[...] + d1[...], 1.0)
    mean = agg / deg
    h = (jnp.dot(mean, Wl[...], precision=_HIGHEST)
         + jnp.dot(feats[...], Wr[...], precision=_HIGHEST)
         + b[...])
    hpre[...] = h

    @pl.when(i == 0)
    def _():
        ssum[...] = jnp.zeros_like(ssum)
        ssq[...] = jnp.zeros_like(ssq)

    ssum[...] += jnp.sum(h, axis=0, keepdims=True)
    ssq[...] += jnp.sum(h * h, axis=0, keepdims=True)

    @pl.when(i == G - 1)
    def _():
        stats[0:1, :] = ssum[...]
        stats[1:2, :] = ssq[...]


def _sage_pre(p0, p1, d0, d1, feats, Wl, Wr, b):
    return pl.pallas_call(
        _sage_pre_body,
        grid=(G,),
        in_specs=[_row_spec(D), _row_spec(D), _row_spec(1), _row_spec(1),
                  _row_spec(D), _full_spec(D, D), _full_spec(D, D),
                  _full_spec(1, D)],
        out_specs=[_row_spec(D), _full_spec(2, D)],
        out_shape=[jax.ShapeDtypeStruct((N, D), jnp.float32),
                   jax.ShapeDtypeStruct((2, D), jnp.float32)],
        scratch_shapes=[pltpu.VMEM((1, D), jnp.float32),
                        pltpu.VMEM((1, D), jnp.float32)],
    )(p0, p1, d0, d1, feats, Wl, Wr, b)


def _bn_relu_body(hpre, stats, g, be, o):
    mu, rstd = _bn_scale(stats)
    hn = (hpre[...] - mu) * rstd * g[...] + be[...]
    o[...] = jnp.maximum(hn, 0.0)


def _bn_relu(hpre, stats, g, be):
    return pl.pallas_call(
        _bn_relu_body,
        grid=(G,),
        in_specs=[_row_spec(D), _full_spec(2, D), _full_spec(1, D),
                  _full_spec(1, D)],
        out_specs=_row_spec(D),
        out_shape=jax.ShapeDtypeStruct((N, D), jnp.float32),
    )(hpre, stats, g, be)


def _bn2_head_pre_body(hpre2, stats2, g2, be2, xb, h1b, mW1, mb1,
                       z_out, zstats, zs, zq):
    i = pl.program_id(0)
    mu, rstd = _bn_scale(stats2)
    h2 = jnp.maximum((hpre2[...] - mu) * rstd * g2[...] + be2[...], 0.0)
    z = (jnp.dot(xb[...], mW1[0:D, :], precision=_HIGHEST)
         + jnp.dot(h1b[...], mW1[D:2 * D, :], precision=_HIGHEST)
         + jnp.dot(h2, mW1[2 * D:3 * D, :], precision=_HIGHEST)
         + mb1[...])
    z_out[...] = z

    @pl.when(i == 0)
    def _():
        zs[...] = jnp.zeros_like(zs)
        zq[...] = jnp.zeros_like(zq)

    zs[...] += jnp.sum(z, axis=0, keepdims=True)
    zq[...] += jnp.sum(z * z, axis=0, keepdims=True)

    @pl.when(i == G - 1)
    def _():
        zstats[0:1, :] = zs[...]
        zstats[1:2, :] = zq[...]


def _bn2_head_pre(hpre2, stats2, g2, be2, x, h1, mW1, mb1):
    return pl.pallas_call(
        _bn2_head_pre_body,
        grid=(G,),
        in_specs=[_row_spec(D), _full_spec(2, D), _full_spec(1, D),
                  _full_spec(1, D), _row_spec(D), _row_spec(D),
                  _full_spec(D_CAT, D_MLP_H), _full_spec(1, D_MLP_H)],
        out_specs=[_row_spec(D_MLP_H), _full_spec(2, D_MLP_H)],
        out_shape=[jax.ShapeDtypeStruct((N, D_MLP_H), jnp.float32),
                   jax.ShapeDtypeStruct((2, D_MLP_H), jnp.float32)],
        scratch_shapes=[pltpu.VMEM((1, D_MLP_H), jnp.float32),
                        pltpu.VMEM((1, D_MLP_H), jnp.float32)],
    )(hpre2, stats2, g2, be2, x, h1, mW1, mb1)


def _head_post_body(z, zstats, mg1, mbe1, mW2, mb2, o):
    mu, rstd = _bn_scale(zstats)
    zn = (z[...] - mu) * rstd * mg1[...] + mbe1[...]
    zl = jnp.where(zn > 0, zn, 0.01 * zn)
    o[...] = jnp.dot(zl, mW2[...], precision=_HIGHEST) + mb2[...]


def _head_post(z, zstats, mg1, mbe1, mW2, mb2):
    return pl.pallas_call(
        _head_post_body,
        grid=(G,),
        in_specs=[_row_spec(D_MLP_H), _full_spec(2, D_MLP_H),
                  _full_spec(1, D_MLP_H), _full_spec(1, D_MLP_H),
                  _full_spec(D_MLP_H, D), _full_spec(1, D)],
        out_specs=_row_spec(D),
        out_shape=jax.ShapeDtypeStruct((N, D), jnp.float32),
    )(z, zstats, mg1, mbe1, mW2, mb2)


def kernel(x, edge_index, Wl1, Wr1, b1, g1, be1, Wl2, Wr2, b2, g2, be2,
           mW1, mb1, mg1, mbe1, mW2, mb2):
    src = edge_index[0]
    dst = edge_index[1]
    pad = jnp.arange(PADE, dtype=jnp.int32)
    src_p = jnp.concatenate([src, pad % N]).reshape(NW, CPW, K)
    dst_p = jnp.concatenate([dst, N + pad % (NPAD - N)]).reshape(NW, CPW, K)
    zrows = jnp.zeros((RPW, D), jnp.float32)
    ones = jnp.ones((K // 2, D), jnp.float32)

    aggp1, degp = _sc_agg_deg(x, src_p, dst_p, zrows, ones)
    d0 = degp[0, :N, 0:1]
    d1 = degp[1, :N, 0:1]
    hpre1, stats1 = _sage_pre(aggp1[0, :N], aggp1[1, :N], d0, d1, x,
                              Wl1, Wr1, b1.reshape(1, D))
    h1 = _bn_relu(hpre1, stats1, g1.reshape(1, D), be1.reshape(1, D))
    aggp2 = _sc_agg(h1, src_p, dst_p, zrows)
    hpre2, stats2 = _sage_pre(aggp2[0, :N], aggp2[1, :N], d0, d1, h1,
                              Wl2, Wr2, b2.reshape(1, D))
    z1, zstats = _bn2_head_pre(hpre2, stats2, g2.reshape(1, D),
                               be2.reshape(1, D), x, h1, mW1,
                               mb1.reshape(1, D_MLP_H))
    return _head_post(z1, zstats, mg1.reshape(1, D_MLP_H),
                      mbe1.reshape(1, D_MLP_H), mW2, mb2.reshape(1, D))

# --- scband reference (transcript-rebuilt; emitter-appended) ---
"""Pipeline reference for scband-graph-sage-2259152798196 (READ-ONLY COPY).

The authoritative reference and input builder live on the scoring server;
editing this copy changes nothing except your own understanding.
"""

import jax, jax.numpy as jnp
import numpy as np

N = 10000
E = 320000
D_IN = 128
D_H = 128
D_OUT = 128
D_CAT = D_IN + 2 * D_H  # 384
D_MLP_H = 2 * D_OUT     # 256


def setup_inputs(seed: int = 0) -> dict:
    key = jax.random.key(seed)
    ks = jax.random.split(key, 24)
    s_in = 1.0 / np.sqrt(D_IN)
    s_h = 1.0 / np.sqrt(D_H)
    s_cat = 1.0 / np.sqrt(D_CAT)
    s_mh = 1.0 / np.sqrt(D_MLP_H)
    inp = {}
    inp["x"] = jax.random.normal(ks[0], (N, D_IN), dtype=jnp.float32)
    inp["edge_index"] = jax.random.randint(ks[1], (2, E), 0, N, dtype=jnp.int32)
    # SAGEConv layer 1 (in=128 -> hid=128): lin_l (aggregated, with bias), lin_r (root)
    inp["Wl1"] = jax.random.normal(ks[2], (D_IN, D_H), dtype=jnp.float32) * s_in
    inp["Wr1"] = jax.random.normal(ks[3], (D_IN, D_H), dtype=jnp.float32) * s_in
    inp["b1"] = jax.random.normal(ks[4], (D_H,), dtype=jnp.float32) * 0.01
    inp["g1"] = jnp.ones((D_H,), dtype=jnp.float32)
    inp["be1"] = jnp.zeros((D_H,), dtype=jnp.float32)
    # SAGEConv layer 2 (hid=128 -> hid=128)
    inp["Wl2"] = jax.random.normal(ks[5], (D_H, D_H), dtype=jnp.float32) * s_h
    inp["Wr2"] = jax.random.normal(ks[6], (D_H, D_H), dtype=jnp.float32) * s_h
    inp["b2"] = jax.random.normal(ks[7], (D_H,), dtype=jnp.float32) * 0.01
    inp["g2"] = jnp.ones((D_H,), dtype=jnp.float32)
    inp["be2"] = jnp.zeros((D_H,), dtype=jnp.float32)
    # MLP head: Linear(384->256) + batch_norm + leaky_relu + Linear(256->128)
    inp["mW1"] = jax.random.normal(ks[8], (D_CAT, D_MLP_H), dtype=jnp.float32) * s_cat
    inp["mb1"] = jax.random.normal(ks[9], (D_MLP_H,), dtype=jnp.float32) * 0.01
    inp["mg1"] = jnp.ones((D_MLP_H,), dtype=jnp.float32)
    inp["mbe1"] = jnp.zeros((D_MLP_H,), dtype=jnp.float32)
    inp["mW2"] = jax.random.normal(ks[10], (D_MLP_H, D_OUT), dtype=jnp.float32) * s_mh
    inp["mb2"] = jax.random.normal(ks[11], (D_OUT,), dtype=jnp.float32) * 0.01
    return inp


def _sage_conv(x, src, dst, Wl, Wr, b):
    # PyG SAGEConv (mean aggregation): out = lin_l(mean_{j in N(i)} x_j) + lin_r(x_i)
    msgs = jnp.take(x, src, axis=0)
    deg = jax.ops.segment_sum(jnp.ones((msgs.shape[0],), jnp.float32), dst, num_segments=N)
    agg = jax.ops.segment_sum(msgs, dst, num_segments=N)
    mean = agg / jnp.clip(deg, 1.0, None)[:, None]
    return mean @ Wl + x @ Wr + b


def _batch_norm(h, g, b, eps=1e-5):
    mu = jnp.mean(h, axis=0)
    var = jnp.var(h, axis=0)
    return (h - mu) / jnp.sqrt(var + eps) * g + b


def reference(x, edge_index, Wl1, Wr1, b1, g1, be1, Wl2, Wr2, b2, g2, be2, mW1, mb1, mg1, mbe1, mW2, mb2):
    src = edge_index[0]
    dst = edge_index[1]
    # dropout is identity (eval mode / deterministic reference)
    xs = [x]
    h = _sage_conv(x, src, dst, Wl1, Wr1, b1)
    h = _batch_norm(h, g1, be1)
    h = jax.nn.relu(h)
    xs.append(h)
    h = _sage_conv(h, src, dst, Wl2, Wr2, b2)
    h = _batch_norm(h, g2, be2)
    h = jax.nn.relu(h)
    xs.append(h)
    z = jnp.concatenate(xs, axis=-1)
    z = z @ mW1 + mb1
    z = _batch_norm(z, mg1, mbe1)
    z = jax.nn.leaky_relu(z, negative_slope=0.01)
    z = z @ mW2 + mb2
    return z

if __name__ == "__main__":
    import jax
    _d = setup_inputs()
    print(jax.jit(kernel)(*tuple(_d.values())))

</pallas_src>

<mosaic_0001>
#map = affine_map<(d0, d1) -> (0, 0)>
#map1 = affine_map<(d0, d1) -> (0, 0, 0)>
module attributes {stable_mosaic.version = 14 : i64} {
  func.func @_sc_agg_deg_body(%arg0: i32, %arg1: i32, %arg2: memref<10000x128xf32, #tpu.memory_space<hbm>>, %arg3: memref<32x80x128xi32, #tpu.memory_space<hbm>>, %arg4: memref<32x80x128xi32, #tpu.memory_space<hbm>>, %arg5: memref<640x128xf32, #tpu.memory_space<hbm>>, %arg6: memref<64x128xf32, #tpu.memory_space<hbm>>, %arg7: memref<2x10240x128xf32, #tpu.memory_space<hbm>>, %arg8: memref<2x10240x128xf32, #tpu.memory_space<hbm>>, %arg9: memref<80x128xi32, #tpu.memory_space<vmem>>, %arg10: memref<80x128xi32, #tpu.memory_space<vmem>>, %arg11: memref<64xi32, #tpu.memory_space<vmem>>, %arg12: memref<64xi32, #tpu.memory_space<vmem>>, %arg13: memref<64xi32, #tpu.memory_space<vmem>>, %arg14: memref<128x128xf32, #tpu.memory_space<vmem>>, %arg15: memref<10240x128xf32, #tpu.memory_space<vmem_shared>>, %arg16: memref<!tpu.dma_semaphore, #tpu.memory_space<semaphore_mem>>) attributes {dimension_semantics = [#tpu.dimension_semantics<core_parallel>, #tpu.dimension_semantics<subcore_parallel>], iteration_bounds = array<i64: 2, 16>, scalar_prefetch = 0 : i64, scratch_operands = 8 : i64, tpu.core_type = #tpu.core_type<sc_vector_subcore>, window_params = [{transform_indices = #map}, {transform_indices = #map1}, {transform_indices = #map1}, {transform_indices = #map}, {transform_indices = #map}, {transform_indices = #map1}, {transform_indices = #map1}]} {
    %mul3A = arith.constant 2 : i32
    %mul3A_0 = arith.muli %arg1, %mul3A : i32
    %add3A = arith.addi %mul3A_0, %arg0 : i32
    %mul3A_1 = arith.constant 640 : i32
    %mul3A_2 = arith.muli %arg1, %mul3A_1 : i32
    "tpu.region"() ({
      %run_scoped3A = tpu.sem_alloc : memref<!tpu.dma_semaphore, #tpu.memory_space<semaphore_mem>>
      %dma_start3A = arith.constant 0 : i32
      %dma_start3A_15 = tpu.memref_slice %arg15[%mul3A_2, %dma_start3A] : memref<10240x128xf32, #tpu.memory_space<vmem_shared>> -> memref<640x128xf32, #tpu.memory_space<vmem_shared>>
      tpu.enqueue_dma source(%arg5 : memref<640x128xf32, #tpu.memory_space<hbm>>) target(%dma_start3A_15 : memref<640x128xf32, #tpu.memory_space<vmem_shared>>) target_semaphore(%run_scoped3A : memref<!tpu.dma_semaphore, #tpu.memory_space<semaphore_mem>>)
      %dma_wait3A = arith.constant 0 : i32
      %dma_wait3A_16 = tpu.memref_slice %arg15[%mul3A_2, %dma_wait3A] : memref<10240x128xf32, #tpu.memory_space<vmem_shared>> -> memref<640x128xf32, #tpu.memory_space<vmem_shared>>
      tpu.wait_dma2 semaphore(%run_scoped3A : memref<!tpu.dma_semaphore, #tpu.memory_space<semaphore_mem>>) src(%arg5 : memref<640x128xf32, #tpu.memory_space<hbm>>) dst(%dma_wait3A_16 : memref<640x128xf32, #tpu.memory_space<vmem_shared>>)
      tpu.yield
    }) : () -> ()
    "tpu.region"() ({
      %run_scoped3A = tpu.sem_alloc : memref<!tpu.dma_semaphore, #tpu.memory_space<semaphore_mem>>
      %dma_start3A = arith.constant 0 : i32
      %dma_start3A_15 = arith.constant 0 : i32
      %dma_start3A_16 = tpu.memref_slice %arg3[%add3A, %dma_start3A, %dma_start3A_15] : memref<32x80x128xi32, #tpu.memory_space<hbm>> -> memref<1x80x128xi32, #tpu.memory_space<hbm>>
      %dma_start3A_17 = tpu.memref_squeeze %dma_start3A_16 : memref<1x80x128xi32, #tpu.memory_space<hbm>> -> memref<80x128xi32, #tpu.memory_space<hbm>>
      %dma_start3A_18 = arith.constant 0 : i32
      %dma_start3A_19 = arith.constant 0 : i32
      %dma_start3A_20 = tpu.memref_slice %arg3[%add3A, %dma_start3A_18, %dma_start3A_19] : memref<32x80x128xi32, #tpu.memory_space<hbm>> -> memref<1x80x128xi32, #tpu.memory_space<hbm>>
      %dma_start3A_21 = tpu.memref_squeeze %dma_start3A_20 : memref<1x80x128xi32, #tpu.memory_space<hbm>> -> memref<80x128xi32, #tpu.memory_space<hbm>>
      tpu.enqueue_dma source(%dma_start3A_21 : memref<80x128xi32, #tpu.memory_space<hbm>>) target(%arg9 : memref<80x128xi32, #tpu.memory_space<vmem>>) target_semaphore(%run_scoped3A : memref<!tpu.dma_semaphore, #tpu.memory_space<semaphore_mem>>)
      %dma_wait3A = arith.constant 0 : i32
      %dma_wait3A_22 = arith.constant 0 : i32
      %dma_wait3A_23 = tpu.memref_slice %arg3[%add3A, %dma_wait3A, %dma_wait3A_22] : memref<32x80x128xi32, #tpu.memory_space<hbm>> -> memref<1x80x128xi32, #tpu.memory_space<hbm>>
      %dma_wait3A_24 = tpu.memref_squeeze %dma_wait3A_23 : memref<1x80x128xi32, #tpu.memory_space<hbm>> -> memref<80x128xi32, #tpu.memory_space<hbm>>
      %dma_wait3A_25 = arith.constant 0 : i32
      %dma_wait3A_26 = arith.constant 0 : i32
      %dma_wait3A_27 = tpu.memref_slice %arg3[%add3A, %dma_wait3A_25, %dma_wait3A_26] : memref<32x80x128xi32, #tpu.memory_space<hbm>> -> memref<1x80x128xi32, #tpu.memory_space<hbm>>
      %dma_wait3A_28 = tpu.memref_squeeze %dma_wait3A_27 : memref<1x80x128xi32, #tpu.memory_space<hbm>> -> memref<80x128xi32, #tpu.memory_space<hbm>>
      tpu.wait_dma2 semaphore(%run_scoped3A : memref<!tpu.dma_semaphore, #tpu.memory_space<semaphore_mem>>) src(%dma_wait3A_28 : memref<80x128xi32, #tpu.memory_space<hbm>>) dst(%arg9 : memref<80x128xi32, #tpu.memory_space<vmem>>)
      tpu.yield
    }) : () -> ()
    "tpu.region"() ({
      %run_scoped3A = tpu.sem_alloc : memref<!tpu.dma_semaphore, #tpu.memory_space<semaphore_mem>>
      %dma_start3A = arith.constant 0 : i32
      %dma_start3A_15 = arith.constant 0 : i32
      %dma_start3A_16 = tpu.memref_slice %arg4[%add3A, %dma_start3A, %dma_start3A_15] : memref<32x80x128xi32, #tpu.memory_space<hbm>> -> memref<1x80x128xi32, #tpu.memory_space<hbm>>
      %dma_start3A_17 = tpu.memref_squeeze %dma_start3A_16 : memref<1x80x128xi32, #tpu.memory_space<hbm>> -> memref<80x128xi32, #tpu.memory_space<hbm>>
      %dma_start3A_18 = arith.constant 0 : i32
      %dma_start3A_19 = arith.constant 0 : i32
      %dma_start3A_20 = tpu.memref_slice %arg4[%add3A, %dma_start3A_18, %dma_start3A_19] : memref<32x80x128xi32, #tpu.memory_space<hbm>> -> memref<1x80x128xi32, #tpu.memory_space<hbm>>
      %dma_start3A_21 = tpu.memref_squeeze %dma_start3A_20 : memref<1x80x128xi32, #tpu.memory_space<hbm>> -> memref<80x128xi32, #tpu.memory_space<hbm>>
      tpu.enqueue_dma source(%dma_start3A_21 : memref<80x128xi32, #tpu.memory_space<hbm>>) target(%arg10 : memref<80x128xi32, #tpu.memory_space<vmem>>) target_semaphore(%run_scoped3A : memref<!tpu.dma_semaphore, #tpu.memory_space<semaphore_mem>>)
      %dma_wait3A = arith.constant 0 : i32
      %dma_wait3A_22 = arith.constant 0 : i32
      %dma_wait3A_23 = tpu.memref_slice %arg4[%add3A, %dma_wait3A, %dma_wait3A_22] : memref<32x80x128xi32, #tpu.memory_space<hbm>> -> memref<1x80x128xi32, #tpu.memory_space<hbm>>
      %dma_wait3A_24 = tpu.memref_squeeze %dma_wait3A_23 : memref<1x80x128xi32, #tpu.memory_space<hbm>> -> memref<80x128xi32, #tpu.memory_space<hbm>>
      %dma_wait3A_25 = arith.constant 0 : i32
      %dma_wait3A_26 = arith.constant 0 : i32
      %dma_wait3A_27 = tpu.memref_slice %arg4[%add3A, %dma_wait3A_25, %dma_wait3A_26] : memref<32x80x128xi32, #tpu.memory_space<hbm>> -> memref<1x80x128xi32, #tpu.memory_space<hbm>>
      %dma_wait3A_28 = tpu.memref_squeeze %dma_wait3A_27 : memref<1x80x128xi32, #tpu.memory_space<hbm>> -> memref<80x128xi32, #tpu.memory_space<hbm>>
      tpu.wait_dma2 semaphore(%run_scoped3A : memref<!tpu.dma_semaphore, #tpu.memory_space<semaphore_mem>>) src(%dma_wait3A_28 : memref<80x128xi32, #tpu.memory_space<hbm>>) dst(%arg10 : memref<80x128xi32, #tpu.memory_space<vmem>>)
      tpu.yield
    }) : () -> ()
    %barrier3A = arith.constant 0 : index
    tpu.barrier barrier_id(%barrier3A)
    %scan3A = arith.constant 0 : i32
    %scan3A_3 = arith.constant 80 : i32
    %scan3A_4 = arith.addi %scan3A, %scan3A_3 : i32
    %scan3A_5 = arith.constant 1 : i32
    scf.for %scan3A_15 = %scan3A to %scan3A_4 step %scan3A_5  : i32 {
      %mul3A_16 = arith.constant 1 : i32
      %mul3A_17 = arith.muli %scan3A_15, %mul3A_16 : i32
      %add3A_18 = arith.constant 0 : i32
      %add3A_19 = arith.addi %add3A_18, %mul3A_17 : i32
      %get3A = arith.index_cast %add3A_19 : i32 to index
      %get3A_20 = arith.constant 0 : index
      %get3A_21 = tpu.vector_load %arg9[%get3A, %get3A_20] {strides = array<i32>} : memref<80x128xi32, #tpu.memory_space<vmem>>, vector<1x16xi32>,
      %get3A_22 = vector.shape_cast %get3A_21 : vector<1x16xi32> to vector<16xi32>
      %swap3A = arith.constant 0 : index
      %swap3A_23 = tpu.vector_load %arg11[%swap3A] {strides = array<i32>} : memref<64xi32, #tpu.memory_space<vmem>>, vector<16xi32>,
      %swap3A_24 = vector.shape_cast %swap3A_23 : vector<16xi32> to vector<16xi32>
      %swap3A_25 = vector.shape_cast %get3A_22 : vector<16xi32> to vector<16xi32>
      tpu.vector_store %arg11[%swap3A], %swap3A_25 {strides = array<i32>} : memref<64xi32, #tpu.memory_space<vmem>>, vector<16xi32>,
      %get3A_26 = arith.index_cast %add3A_19 : i32 to index
      %get3A_27 = arith.constant 16 : index
      %get3A_28 = tpu.vector_load %arg9[%get3A_26, %get3A_27] {strides = array<i32>} : memref<80x128xi32, #tpu.memory_space<vmem>>, vector<1x16xi32>,
      %get3A_29 = vector.shape_cast %get3A_28 : vector<1x16xi32> to vector<16xi32>
      %swap3A_30 = arith.constant 16 : index
      %swap3A_31 = tpu.vector_load %arg11[%swap3A_30] {strides = array<i32>} : memref<64xi32, #tpu.memory_space<vmem>>, vector<16xi32>,
      %swap3A_32 = vector.shape_cast %swap3A_31 : vector<16xi32> to vector<16xi32>
      %swap3A_33 = vector.shape_cast %get3A_29 : vector<16xi32> to vector<16xi32>
      tpu.vector_store %arg11[%swap3A_30], %swap3A_33 {strides = array<i32>} : memref<64xi32, #tpu.memory_space<vmem>>, vector<16xi32>,
      %get3A_34 = arith.index_cast %add3A_19 : i32 to index
      %get3A_35 = arith.constant 32 : index
      %get3A_36 = tpu.vector_load %arg9[%get3A_34, %get3A_35] {strides = array<i32>} : memref<80x128xi32, #tpu.memory_space<vmem>>, vector<1x16xi32>,
      %get3A_37 = vector.shape_cast %get3A_36 : vector<1x16xi32> to vector<16xi32>
      %swap3A_38 = arith.constant 32 : index
      %swap3A_39 = tpu.vector_load %arg11[%swap3A_38] {strides = array<i32>} : memref<64xi32, #tpu.memory_space<vmem>>, vector<16xi32>,
      %swap3A_40 = vector.shape_cast %swap3A_39 : vector<16xi32> to vector<16xi32>
      %swap3A_41 = vector.shape_cast %get3A_37 : vector<16xi32> to vector<16xi32>
      tpu.vector_store %arg11[%swap3A_38], %swap3A_41 {strides = array<i32>} : memref<64xi32, #tpu.memory_space<vmem>>, vector<16xi32>,
      %get3A_42 = arith.index_cast %add3A_19 : i32 to index
      %get3A_43 = arith.constant 48 : index
      %get3A_44 = tpu.vector_load %arg9[%get3A_42, %get3A_43] {strides = array<i32>} : memref<80x128xi32, #tpu.memory_space<vmem>>, vector<1x16xi32>,
      %get3A_45 = vector.shape_cast %get3A_44 : vector<1x16xi32> to vector<16xi32>
      %swap3A_46 = arith.constant 48 : index
      %swap3A_47 = tpu.vector_load %arg11[%swap3A_46] {strides = array<i32>} : memref<64xi32, #tpu.memory_space<vmem>>, vector<16xi32>,
      %swap3A_48 = vector.shape_cast %swap3A_47 : vector<16xi32> to vector<16xi32>
      %swap3A_49 = vector.shape_cast %get3A_45 : vector<16xi32> to vector<16xi32>
      tpu.vector_store %arg11[%swap3A_46], %swap3A_49 {strides = array<i32>} : memref<64xi32, #tpu.memory_space<vmem>>, vector<16xi32>,
      %dma_start3A = arith.constant 0 : i32
      %dma_start3A_50 = arith.constant 0 : i32
      %dma_start3A_51 = tpu.memref_slice %arg14[%dma_start3A, %dma_start3A_50] : memref<128x128xf32, #tpu.memory_space<vmem>> -> memref<64x128xf32, #tpu.memory_space<vmem>>
      %dma_start3A_52 = arith.constant 0 : i32
      %dma_start3A_53 = arith.constant 0 : i32
      %dma_start3A_54 = tpu.memref_slice %arg2[%dma_start3A_52, %dma_start3A_53] : memref<10000x128xf32, #tpu.memory_space<hbm>> -> memref<10000x128xf32, #tpu.memory_space<hbm>>
      tpu.enqueue_indirect_dma source(%dma_start3A_54 : memref<10000x128xf32, #tpu.memory_space<hbm>>) target(%dma_start3A_51 : memref<64x128xf32, #tpu.memory_space<vmem>>) offsets(%arg11 : memref<64xi32, #tpu.memory_space<vmem>>) semaphore(%arg16 : memref<!tpu.dma_semaphore, #tpu.memory_space<semaphore_mem>>)
      %get3A_55 = arith.index_cast %add3A_19 : i32 to index
      %get3A_56 = arith.constant 64 : index
      %get3A_57 = tpu.vector_load %arg9[%get3A_55, %get3A_56] {strides = array<i32>} : memref<80x128xi32, #tpu.memory_space<vmem>>, vector<1x16xi32>,
      %get3A_58 = vector.shape_cast %get3A_57 : vector<1x16xi32> to vector<16xi32>
      %swap3A_59 = arith.constant 0 : index
      %swap3A_60 = tpu.vector_load %arg12[%swap3A_59] {strides = array<i32>} : memref<64xi32, #tpu.memory_space<vmem>>, vector<16xi32>,
      %swap3A_61 = vector.shape_cast %swap3A_60 : vector<16xi32> to vector<16xi32>
      %swap3A_62 = vector.shape_cast %get3A_58 : vector<16xi32> to vector<16xi32>
      tpu.vector_store %arg12[%swap3A_59], %swap3A_62 {strides = array<i32>} : memref<64xi32, #tpu.memory_space<vmem>>, vector<16xi32>,
      %get3A_63 = arith.index_cast %add3A_19 : i32 to index
      %get3A_64 = arith.constant 80 : index
      %get3A_65 = tpu.vector_load %arg9[%get3A_63, %get3A_64] {strides = array<i32>} : memref<80x128xi32, #tpu.memory_space<vmem>>, vector<1x16xi32>,
      %get3A_66 = vector.shape_cast %get3A_65 : vector<1x16xi32> to vector<16xi32>
      %swap3A_67 = arith.constant 16 : index
      %swap3A_68 = tpu.vector_load %arg12[%swap3A_67] {strides = array<i32>} : memref<64xi32, #tpu.memory_space<vmem>>, vector<16xi32>,
      %swap3A_69 = vector.shape_cast %swap3A_68 : vector<16xi32> to vector<16xi32>
      %swap3A_70 = vector.shape_cast %get3A_66 : vector<16xi32> to vector<16xi32>
      tpu.vector_store %arg12[%swap3A_67], %swap3A_70 {strides = array<i32>} : memref<64xi32, #tpu.memory_space<vmem>>, vector<16xi32>,
      %get3A_71 = arith.index_cast %add3A_19 : i32 to index
      %get3A_72 = arith.constant 96 : index
      %get3A_73 = tpu.vector_load %arg9[%get3A_71, %get3A_72] {strides = array<i32>} : memref<80x128xi32, #tpu.memory_space<vmem>>, vector<1x16xi32>,
      %get3A_74 = vector.shape_cast %get3A_73 : vector<1x16xi32> to vector<16xi32>
      %swap3A_75 = arith.constant 32 : index
      %swap3A_76 = tpu.vector_load %arg12[%swap3A_75] {strides = array<i32>} : memref<64xi32, #tpu.memory_space<vmem>>, vector<16xi32>,
      %swap3A_77 = vector.shape_cast %swap3A_76 : vector<16xi32> to vector<16xi32>
      %swap3A_78 = vector.shape_cast %get3A_74 : vector<16xi32> to vector<16xi32>
      tpu.vector_store %arg12[%swap3A_75], %swap3A_78 {strides = array<i32>} : memref<64xi32, #tpu.memory_space<vmem>>, vector<16xi32>,
      %get3A_79 = arith.index_cast %add3A_19 : i32 to index
      %get3A_80 = arith.constant 112 : index
      %get3A_81 = tpu.vector_load %arg9[%get3A_79, %get3A_80] {strides = array<i32>} : memref<80x128xi32, #tpu.memory_space<vmem>>, vector<1x16xi32>,
      %get3A_82 = vector.shape_cast %get3A_81 : vector<1x16xi32> to vector<16xi32>
      %swap3A_83 = arith.constant 48 : index
      %swap3A_84 = tpu.vector_load %arg12[%swap3A_83] {strides = array<i32>} : memref<64xi32, #tpu.memory_space<vmem>>, vector<16xi32>,
      %swap3A_85 = vector.shape_cast %swap3A_84 : vector<16xi32> to vector<16xi32>
      %swap3A_86 = vector.shape_cast %get3A_82 : vector<16xi32> to vector<16xi32>
      tpu.vector_store %arg12[%swap3A_83], %swap3A_86 {strides = array<i32>} : memref<64xi32, #tpu.memory_space<vmem>>, vector<16xi32>,
      %dma_start3A_87 = arith.constant 64 : i32
      %dma_start3A_88 = arith.constant 0 : i32
      %dma_start3A_89 = tpu.memref_slice %arg14[%dma_start3A_87, %dma_start3A_88] : memref<128x128xf32, #tpu.memory_space<vmem>> -> memref<64x128xf32, #tpu.memory_space<vmem>>
      %dma_start3A_90 = arith.constant 0 : i32
      %dma_start3A_91 = arith.constant 0 : i32
      %dma_start3A_92 = tpu.memref_slice %arg2[%dma_start3A_90, %dma_start3A_91] : memref<10000x128xf32, #tpu.memory_space<hbm>> -> memref<10000x128xf32, #tpu.memory_space<hbm>>
      tpu.enqueue_indirect_dma source(%dma_start3A_92 : memref<10000x128xf32, #tpu.memory_space<hbm>>) target(%dma_start3A_89 : memref<64x128xf32, #tpu.memory_space<vmem>>) offsets(%arg12 : memref<64xi32, #tpu.memory_space<vmem>>) semaphore(%arg16 : memref<!tpu.dma_semaphore, #tpu.memory_space<semaphore_mem>>)
      %get3A_93 = arith.index_cast %add3A_19 : i32 to index
      %get3A_94 = arith.constant 0 : index
      %get3A_95 = tpu.vector_load %arg10[%get3A_93, %get3A_94] {strides = array<i32>} : memref<80x128xi32, #tpu.memory_space<vmem>>, vector<1x16xi32>,
      %get3A_96 = vector.shape_cast %get3A_95 : vector<1x16xi32> to vector<16xi32>
      %swap3A_97 = arith.constant 0 : index
      %swap3A_98 = tpu.vector_load %arg13[%swap3A_97] {strides = array<i32>} : memref<64xi32, #tpu.memory_space<vmem>>, vector<16xi32>,
      %swap3A_99 = vector.shape_cast %swap3A_98 : vector<16xi32> to vector<16xi32>
      %swap3A_100 = vector.shape_cast %get3A_96 : vector<16xi32> to vector<16xi32>
      tpu.vector_store %arg13[%swap3A_97], %swap3A_100 {strides = array<i32>} : memref<64xi32, #tpu.memory_space<vmem>>, vector<16xi32>,
      %get3A_101 = arith.index_cast %add3A_19 : i32 to index
      %get3A_102 = arith.constant 16 : index
      %get3A_103 = tpu.vector_load %arg10[%get3A_101, %get3A_102] {strides = array<i32>} : memref<80x128xi32, #tpu.memory_space<vmem>>, vector<1x16xi32>,
      %get3A_104 = vector.shape_cast %get3A_103 : vector<1x16xi32> to vector<16xi32>
      %swap3A_105 = arith.constant 16 : index
      %swap3A_106 = tpu.vector_load %arg13[%swap3A_105] {strides = array<i32>} : memref<64xi32, #tpu.memory_space<vmem>>, vector<16xi32>,
      %swap3A_107 = vector.shape_cast %swap3A_106 : vector<16xi32> to vector<16xi32>
      %swap3A_108 = vector.shape_cast %get3A_104 : vector<16xi32> to vector<16xi32>
      tpu.vector_store %arg13[%swap3A_105], %swap3A_108 {strides = array<i32>} : memref<64xi32, #tpu.memory_space<vmem>>, vector<16xi32>,
      %get3A_109 = arith.index_cast %add3A_19 : i32 to index
      %get3A_110 = arith.constant 32 : index
      %get3A_111 = tpu.vector_load %arg10[%get3A_109, %get3A_110] {strides = array<i32>} : memref<80x128xi32, #tpu.memory_space<vmem>>, vector<1x16xi32>,
      %get3A_112 = vector.shape_cast %get3A_111 : vector<1x16xi32> to vector<16xi32>
      %swap3A_113 = arith.constant 32 : index
      %swap3A_114 = tpu.vector_load %arg13[%swap3A_113] {strides = array<i32>} : memref<64xi32, #tpu.memory_space<vmem>>, vector<16xi32>,
      %swap3A_115 = vector.shape_cast %swap3A_114 : vector<16xi32> to vector<16xi32>
      %swap3A_116 = vector.shape_cast %get3A_112 : vector<16xi32> to vector<16xi32>
      tpu.vector_store %arg13[%swap3A_113], %swap3A_116 {strides = array<i32>} : memref<64xi32, #tpu.memory_space<vmem>>, vector<16xi32>,
      %get3A_117 = arith.index_cast %add3A_19 : i32 to index
      %get3A_118 = arith.constant 48 : index
      %get3A_119 = tpu.vector_load %arg10[%get3A_117, %get3A_118] {strides = array<i32>} : memref<80x128xi32, #tpu.memory_space<vmem>>, vector<1x16xi32>,
      %get3A_120 = vector.shape_cast %get3A_119 : vector<1x16xi32> to vector<16xi32>
      %swap3A_121 = arith.constant 48 : index
      %swap3A_122 = tpu.vector_load %arg13[%swap3A_121] {strides = array<i32>} : memref<64xi32, #tpu.memory_space<vmem>>, vector<16xi32>,
      %swap3A_123 = vector.shape_cast %swap3A_122 : vector<16xi32> to vector<16xi32>
      %swap3A_124 = vector.shape_cast %get3A_120 : vector<16xi32> to vector<16xi32>
      tpu.vector_store %arg13[%swap3A_121], %swap3A_124 {strides = array<i32>} : memref<64xi32, #tpu.memory_space<vmem>>, vector<16xi32>,
      %dma_wait3A = arith.constant 0 : i32
      %dma_wait3A_125 = arith.constant 0 : i32
      %dma_wait3A_126 = tpu.memref_slice %arg14[%dma_wait3A, %dma_wait3A_125] : memref<128x128xf32, #tpu.memory_space<vmem>> -> memref<64x128xf32, #tpu.memory_space<vmem>>
      %dma_wait3A_127 = arith.constant 0 : i32
      %dma_wait3A_128 = arith.constant 0 : i32
      %dma_wait3A_129 = tpu.memref_slice %arg2[%dma_wait3A_127, %dma_wait3A_128] : memref<10000x128xf32, #tpu.memory_space<hbm>> -> memref<10000x128xf32, #tpu.memory_space<hbm>>
      tpu.wait_indirect_dma semaphore(%arg16 : memref<!tpu.dma_semaphore, #tpu.memory_space<semaphore_mem>>) src(%dma_wait3A_129 : memref<10000x128xf32, #tpu.memory_space<hbm>>) dst(%dma_wait3A_126 : memref<64x128xf32, #tpu.memory_space<vmem>>)
      "tpu.region"() ({
        %run_scoped3A = tpu.sem_alloc : memref<!tpu.dma_semaphore, #tpu.memory_space<semaphore_mem>>
        %dma_start3A_168 = arith.constant 0 : i32
        %dma_start3A_169 = arith.constant 0 : i32
        %dma_start3A_170 = tpu.memref_slice %arg14[%dma_start3A_168, %dma_start3A_169] : memref<128x128xf32, #tpu.memory_space<vmem>> -> memref<64x128xf32, #tpu.memory_space<vmem>>
        %dma_start3A_171 = arith.constant 0 : i32
        %dma_start3A_172 = arith.constant 0 : i32
        %dma_start3A_173 = tpu.memref_slice %arg15[%dma_start3A_171, %dma_start3A_172] : memref<10240x128xf32, #tpu.memory_space<vmem_shared>> -> memref<10240x128xf32, #tpu.memory_space<vmem_shared>>
        tpu.enqueue_indirect_dma source(%dma_start3A_170 : memref<64x128xf32, #tpu.memory_space<vmem>>) target(%dma_start3A_173 : memref<10240x128xf32, #tpu.memory_space<vmem_shared>>) offsets(%arg13 : memref<64xi32, #tpu.memory_space<vmem>>) semaphore(%run_scoped3A : memref<!tpu.dma_semaphore, #tpu.memory_space<semaphore_mem>>) {add = true}
        %dma_wait3A_174 = arith.constant 0 : i32
        %dma_wait3A_175 = arith.constant 0 : i32
        %dma_wait3A_176 = tpu.memref_slice %arg14[%dma_wait3A_174, %dma_wait3A_175] : memref<128x128xf32, #tpu.memory_space<vmem>> -> memref<64x128xf32, #tpu.memory_space<vmem>>
        %dma_wait3A_177 = arith.constant 0 : i32
        %dma_wait3A_178 = arith.constant 0 : i32
        %dma_wait3A_179 = tpu.memref_slice %arg15[%dma_wait3A_177, %dma_wait3A_178] : memref<10240x128xf32, #tpu.memory_space<vmem_shared>> -> memref<10240x128xf32, #tpu.memory_space<vmem_shared>>
        tpu.wait_indirect_dma semaphore(%run_scoped3A : memref<!tpu.dma_semaphore, #tpu.memory_space<semaphore_mem>>) src(%dma_wait3A_176 : memref<64x128xf32, #tpu.memory_space<vmem>>) dst(%dma_wait3A_179 : memref<10240x128xf32, #tpu.memory_space<vmem_shared>>)
        tpu.yield
      }) : () -> ()
      %get3A_130 = arith.index_cast %add3A_19 : i32 to index
      %get3A_131 = arith.constant 64 : index
      %get3A_132 = tpu.vector_load %arg10[%get3A_130, %get3A_131] {strides = array<i32>} : memref<80x128xi32, #tpu.memory_space<vmem>>, vector<1x16xi32>,
      %get3A_133 = vector.shape_cast %get3A_132 : vector<1x16xi32> to vector<16xi32>
      %swap3A_134 = arith.constant 0 : index
      %swap3A_135 = tpu.vector_load %arg13[%swap3A_134] {strides = array<i32>} : memref<64xi32, #tpu.memory_space<vmem>>, vector<16xi32>,
      %swap3A_136 = vector.shape_cast %swap3A_135 : vector<16xi32> to vector<16xi32>
      %swap3A_137 = vector.shape_cast %get3A_133 : vector<16xi32> to vector<16xi32>
      tpu.vector_store %arg13[%swap3A_134], %swap3A_137 {strides = array<i32>} : memref<64xi32, #tpu.memory_space<vmem>>, vector<16xi32>,
      %get3A_138 = arith.index_cast %add3A_19 : i32 to index
      %get3A_139 = arith.constant 80 : index
      %get3A_140 = tpu.vector_load %arg10[%get3A_138, %get3A_139] {strides = array<i32>} : memref<80x128xi32, #tpu.memory_space<vmem>>, vector<1x16xi32>,
      %get3A_141 = vector.shape_cast %get3A_140 : vector<1x16xi32> to vector<16xi32>
      %swap3A_142 = arith.constant 16 : index
      %swap3A_143 = tpu.vector_load %arg13[%swap3A_142] {strides = array<i32>} : memref<64xi32, #tpu.memory_space<vmem>>, vector<16xi32>,
      %swap3A_144 = vector.shape_cast %swap3A_143 : vector<16xi32> to vector<16xi32>
      %swap3A_145 = vector.shape_cast %get3A_141 : vector<16xi32> to vector<16xi32>
      tpu.vector_store %arg13[%swap3A_142], %swap3A_145 {strides = array<i32>} : memref<64xi32, #tpu.memory_space<vmem>>, vector<16xi32>,
      %get3A_146 = arith.index_cast %add3A_19 : i32 to index
      %get3A_147 = arith.constant 96 : index
      %get3A_148 = tpu.vector_load %arg10[%get3A_146, %get3A_147] {strides = array<i32>} : memref<80x128xi32, #tpu.memory_space<vmem>>, vector<1x16xi32>,
      %get3A_149 = vector.shape_cast %get3A_148 : vector<1x16xi32> to vector<16xi32>
      %swap3A_150 = arith.constant 32 : index
      %swap3A_151 = tpu.vector_load %arg13[%swap3A_150] {strides = array<i32>} : memref<64xi32, #tpu.memory_space<vmem>>, vector<16xi32>,
      %swap3A_152 = vector.shape_cast %swap3A_151 : vector<16xi32> to vector<16xi32>
      %swap3A_153 = vector.shape_cast %get3A_149 : vector<16xi32> to vector<16xi32>
      tpu.vector_store %arg13[%swap3A_150], %swap3A_153 {strides = array<i32>} : memref<64xi32, #tpu.memory_space<vmem>>, vector<16xi32>,
      %get3A_154 = arith.index_cast %add3A_19 : i32 to index
      %get3A_155 = arith.constant 112 : index
      %get3A_156 = tpu.vector_load %arg10[%get3A_154, %get3A_155] {strides = array<i32>} : memref<80x128xi32, #tpu.memory_space<vmem>>, vector<1x16xi32>,
      %get3A_157 = vector.shape_cast %get3A_156 : vector<1x16xi32> to vector<16xi32>
      %swap3A_158 = arith.constant 48 : index
      %swap3A_159 = tpu.vector_load %arg13[%swap3A_158] {strides = array<i32>} : memref<64xi32, #tpu.memory_space<vmem>>, vector<16xi32>,
      %swap3A_160 = vector.shape_cast %swap3A_159 : vector<16xi32> to vector<16xi32>
      %swap3A_161 = vector.shape_cast %get3A_157 : vector<16xi32> to vector<16xi32>
      tpu.vector_store %arg13[%swap3A_158], %swap3A_161 {strides = array<i32>} : memref<64xi32, #tpu.memory_space<vmem>>, vector<16xi32>,
      %dma_wait3A_162 = arith.constant 64 : i32
      %dma_wait3A_163 = arith.constant 0 : i32
      %dma_wait3A_164 = tpu.memref_slice %arg14[%dma_wait3A_162, %dma_wait3A_163] : memref<128x128xf32, #tpu.memory_space<vmem>> -> memref<64x128xf32, #tpu.memory_space<vmem>>
      %dma_wait3A_165 = arith.constant 0 : i32
      %dma_wait3A_166 = arith.constant 0 : i32
      %dma_wait3A_167 = tpu.memref_slice %arg2[%dma_wait3A_165, %dma_wait3A_166] : memref<10000x128xf32, #tpu.memory_space<hbm>> -> memref<10000x128xf32, #tpu.memory_space<hbm>>
      tpu.wait_indirect_dma semaphore(%arg16 : memref<!tpu.dma_semaphore, #tpu.memory_space<semaphore_mem>>) src(%dma_wait3A_167 : memref<10000x128xf32, #tpu.memory_space<hbm>>) dst(%dma_wait3A_164 : memref<64x128xf32, #tpu.memory_space<vmem>>)
      "tpu.region"() ({
        %run_scoped3A = tpu.sem_alloc : memref<!tpu.dma_semaphore, #tpu.memory_space<semaphore_mem>>
        %dma_start3A_168 = arith.constant 64 : i32
        %dma_start3A_169 = arith.constant 0 : i32
        %dma_start3A_170 = tpu.memref_slice %arg14[%dma_start3A_168, %dma_start3A_169] : memref<128x128xf32, #tpu.memory_space<vmem>> -> memref<64x128xf32, #tpu.memory_space<vmem>>
        %dma_start3A_171 = arith.constant 0 : i32
        %dma_start3A_172 = arith.constant 0 : i32
        %dma_start3A_173 = tpu.memref_slice %arg15[%dma_start3A_171, %dma_start3A_172] : memref<10240x128xf32, #tpu.memory_space<vmem_shared>> -> memref<10240x128xf32, #tpu.memory_space<vmem_shared>>
        tpu.enqueue_indirect_dma source(%dma_start3A_170 : memref<64x128xf32, #tpu.memory_space<vmem>>) target(%dma_start3A_173 : memref<10240x128xf32, #tpu.memory_space<vmem_shared>>) offsets(%arg13 : memref<64xi32, #tpu.memory_space<vmem>>) semaphore(%run_scoped3A : memref<!tpu.dma_semaphore, #tpu.memory_space<semaphore_mem>>) {add = true}
        %dma_wait3A_174 = arith.constant 64 : i32
        %dma_wait3A_175 = arith.constant 0 : i32
        %dma_wait3A_176 = tpu.memref_slice %arg14[%dma_wait3A_174, %dma_wait3A_175] : memref<128x128xf32, #tpu.memory_space<vmem>> -> memref<64x128xf32, #tpu.memory_space<vmem>>
        %dma_wait3A_177 = arith.constant 0 : i32
        %dma_wait3A_178 = arith.constant 0 : i32
        %dma_wait3A_179 = tpu.memref_slice %arg15[%dma_wait3A_177, %dma_wait3A_178] : memref<10240x128xf32, #tpu.memory_space<vmem_shared>> -> memref<10240x128xf32, #tpu.memory_space<vmem_shared>>
        tpu.wait_indirect_dma semaphore(%run_scoped3A : memref<!tpu.dma_semaphore, #tpu.memory_space<semaphore_mem>>) src(%dma_wait3A_176 : memref<64x128xf32, #tpu.memory_space<vmem>>) dst(%dma_wait3A_179 : memref<10240x128xf32, #tpu.memory_space<vmem_shared>>)
        tpu.yield
      }) : () -> ()
    }
    %scan3A_6 = arith.constant 80 : i32
    %barrier3A_7 = arith.constant 0 : index
    tpu.barrier barrier_id(%barrier3A_7)
    "tpu.region"() ({
      %run_scoped3A = tpu.sem_alloc : memref<!tpu.dma_semaphore, #tpu.memory_space<semaphore_mem>>
      %dma_start3A = arith.constant 0 : i32
      %dma_start3A_15 = tpu.memref_slice %arg7[%arg0, %mul3A_2, %dma_start3A] : memref<2x10240x128xf32, #tpu.memory_space<hbm>> -> memref<1x640x128xf32, #tpu.memory_space<hbm>>
      %dma_start3A_16 = tpu.memref_squeeze %dma_start3A_15 : memref<1x640x128xf32, #tpu.memory_space<hbm>> -> memref<640x128xf32, #tpu.memory_space<hbm>>
      %dma_start3A_17 = arith.constant 0 : i32
      %dma_start3A_18 = tpu.memref_slice %arg15[%mul3A_2, %dma_start3A_17] : memref<10240x128xf32, #tpu.memory_space<vmem_shared>> -> memref<640x128xf32, #tpu.memory_space<vmem_shared>>
      tpu.enqueue_dma source(%dma_start3A_18 : memref<640x128xf32, #tpu.memory_space<vmem_shared>>) target(%dma_start3A_16 : memref<640x128xf32, #tpu.memory_space<hbm>>) target_semaphore(%run_scoped3A : memref<!tpu.dma_semaphore, #tpu.memory_space<semaphore_mem>>)
      %dma_wait3A = arith.constant 0 : i32
      %dma_wait3A_19 = tpu.memref_slice %arg7[%arg0, %mul3A_2, %dma_wait3A] : memref<2x10240x128xf32, #tpu.memory_space<hbm>> -> memref<1x640x128xf32, #tpu.memory_space<hbm>>
      %dma_wait3A_20 = tpu.memref_squeeze %dma_wait3A_19 : memref<1x640x128xf32, #tpu.memory_space<hbm>> -> memref<640x128xf32, #tpu.memory_space<hbm>>
      %dma_wait3A_21 = arith.constant 0 : i32
      %dma_wait3A_22 = tpu.memref_slice %arg15[%mul3A_2, %dma_wait3A_21] : memref<10240x128xf32, #tpu.memory_space<vmem_shared>> -> memref<640x128xf32, #tpu.memory_space<vmem_shared>>
      tpu.wait_dma2 semaphore(%run_scoped3A : memref<!tpu.dma_semaphore, #tpu.memory_space<semaphore_mem>>) src(%dma_wait3A_22 : memref<640x128xf32, #tpu.memory_space<vmem_shared>>) dst(%dma_wait3A_20 : memref<640x128xf32, #tpu.memory_space<hbm>>)
      tpu.yield
    }) : () -> ()
    "tpu.region"() ({
      %run_scoped3A = tpu.sem_alloc : memref<!tpu.dma_semaphore, #tpu.memory_space<semaphore_mem>>
      %dma_start3A = arith.constant 0 : i32
      %dma_start3A_15 = tpu.memref_slice %arg15[%mul3A_2, %dma_start3A] : memref<10240x128xf32, #tpu.memory_space<vmem_shared>> -> memref<640x128xf32, #tpu.memory_space<vmem_shared>>
      tpu.enqueue_dma source(%arg5 : memref<640x128xf32, #tpu.memory_space<hbm>>) target(%dma_start3A_15 : memref<640x128xf32, #tpu.memory_space<vmem_shared>>) target_semaphore(%run_scoped3A : memref<!tpu.dma_semaphore, #tpu.memory_space<semaphore_mem>>)
      %dma_wait3A = arith.constant 0 : i32
      %dma_wait3A_16 = tpu.memref_slice %arg15[%mul3A_2, %dma_wait3A] : memref<10240x128xf32, #tpu.memory_space<vmem_shared>> -> memref<640x128xf32, #tpu.memory_space<vmem_shared>>
      tpu.wait_dma2 semaphore(%run_scoped3A : memref<!tpu.dma_semaphore, #tpu.memory_space<semaphore_mem>>) src(%arg5 : memref<640x128xf32, #tpu.memory_space<hbm>>) dst(%dma_wait3A_16 : memref<640x128xf32, #tpu.memory_space<vmem_shared>>)
      tpu.yield
    }) : () -> ()
    "tpu.region"() ({
      %run_scoped3A = tpu.sem_alloc : memref<!tpu.dma_semaphore, #tpu.memory_space<semaphore_mem>>
      %dma_start3A = arith.constant 0 : i32
      %dma_start3A_15 = arith.constant 0 : i32
      %dma_start3A_16 = tpu.memref_slice %arg14[%dma_start3A, %dma_start3A_15] : memref<128x128xf32, #tpu.memory_space<vmem>> -> memref<64x128xf32, #tpu.memory_space<vmem>>
      %dma_start3A_17 = arith.constant 0 : i32
      %dma_start3A_18 = arith.constant 0 : i32
      %dma_start3A_19 = tpu.memref_slice %arg14[%dma_start3A_17, %dma_start3A_18] : memref<128x128xf32, #tpu.memory_space<vmem>> -> memref<64x128xf32, #tpu.memory_space<vmem>>
      tpu.enqueue_dma source(%arg6 : memref<64x128xf32, #tpu.memory_space<hbm>>) target(%dma_start3A_19 : memref<64x128xf32, #tpu.memory_space<vmem>>) target_semaphore(%run_scoped3A : memref<!tpu.dma_semaphore, #tpu.memory_space<semaphore_mem>>)
      %dma_wait3A = arith.constant 0 : i32
      %dma_wait3A_20 = arith.constant 0 : i32
      %dma_wait3A_21 = tpu.memref_slice %arg14[%dma_wait3A, %dma_wait3A_20] : memref<128x128xf32, #tpu.memory_space<vmem>> -> memref<64x128xf32, #tpu.memory_space<vmem>>
      %dma_wait3A_22 = arith.constant 0 : i32
      %dma_wait3A_23 = arith.constant 0 : i32
      %dma_wait3A_24 = tpu.memref_slice %arg14[%dma_wait3A_22, %dma_wait3A_23] : memref<128x128xf32, #tpu.memory_space<vmem>> -> memref<64x128xf32, #tpu.memory_space<vmem>>
      tpu.wait_dma2 semaphore(%run_scoped3A : memref<!tpu.dma_semaphore, #tpu.memory_space<semaphore_mem>>) src(%arg6 : memref<64x128xf32, #tpu.memory_space<hbm>>) dst(%dma_wait3A_24 : memref<64x128xf32, #tpu.memory_space<vmem>>)
      tpu.yield
    }) : () -> ()
    %barrier3A_8 = arith.constant 0 : index
    tpu.barrier barrier_id(%barrier3A_8)
    %scan3A_9 = arith.constant 0 : i32
    %scan3A_10 = arith.constant 80 : i32
    %scan3A_11 = arith.addi %scan3A_9, %scan3A_10 : i32
    %scan3A_12 = arith.constant 1 : i32
    scf.for %scan3A_15 = %scan3A_9 to %scan3A_11 step %scan3A_12  : i32 {
      %mul3A_16 = arith.constant 1 : i32
      %mul3A_17 = arith.muli %scan3A_15, %mul3A_16 : i32
      %add3A_18 = arith.constant 0 : i32
      %add3A_19 = arith.addi %add3A_18, %mul3A_17 : i32
      %get3A = arith.index_cast %add3A_19 : i32 to index
      %get3A_20 = arith.constant 0 : index
      %get3A_21 = tpu.vector_load %arg10[%get3A, %get3A_20] {strides = array<i32>} : memref<80x128xi32, #tpu.memory_space<vmem>>, vector<1x16xi32>,
      %get3A_22 = vector.shape_cast %get3A_21 : vector<1x16xi32> to vector<16xi32>
      %swap3A = arith.constant 0 : index
      %swap3A_23 = tpu.vector_load %arg13[%swap3A] {strides = array<i32>} : memref<64xi32, #tpu.memory_space<vmem>>, vector<16xi32>,
      %swap3A_24 = vector.shape_cast %swap3A_23 : vector<16xi32> to vector<16xi32>
      %swap3A_25 = vector.shape_cast %get3A_22 : vector<16xi32> to vector<16xi32>
      tpu.vector_store %arg13[%swap3A], %swap3A_25 {strides = array<i32>} : memref<64xi32, #tpu.memory_space<vmem>>, vector<16xi32>,
      %get3A_26 = arith.index_cast %add3A_19 : i32 to index
      %get3A_27 = arith.constant 16 : index
      %get3A_28 = tpu.vector_load %arg10[%get3A_26, %get3A_27] {strides = array<i32>} : memref<80x128xi32, #tpu.memory_space<vmem>>, vector<1x16xi32>,
      %get3A_29 = vector.shape_cast %get3A_28 : vector<1x16xi32> to vector<16xi32>
      %swap3A_30 = arith.constant 16 : index
      %swap3A_31 = tpu.vector_load %arg13[%swap3A_30] {strides = array<i32>} : memref<64xi32, #tpu.memory_space<vmem>>, vector<16xi32>,
      %swap3A_32 = vector.shape_cast %swap3A_31 : vector<16xi32> to vector<16xi32>
      %swap3A_33 = vector.shape_cast %get3A_29 : vector<16xi32> to vector<16xi32>
      tpu.vector_store %arg13[%swap3A_30], %swap3A_33 {strides = array<i32>} : memref<64xi32, #tpu.memory_space<vmem>>, vector<16xi32>,
      %get3A_34 = arith.index_cast %add3A_19 : i32 to index
      %get3A_35 = arith.constant 32 : index
      %get3A_36 = tpu.vector_load %arg10[%get3A_34, %get3A_35] {strides = array<i32>} : memref<80x128xi32, #tpu.memory_space<vmem>>, vector<1x16xi32>,
      %get3A_37 = vector.shape_cast %get3A_36 : vector<1x16xi32> to vector<16xi32>
      %swap3A_38 = arith.constant 32 : index
      %swap3A_39 = tpu.vector_load %arg13[%swap3A_38] {strides = array<i32>} : memref<64xi32, #tpu.memory_space<vmem>>, vector<16xi32>,
      %swap3A_40 = vector.shape_cast %swap3A_39 : vector<16xi32> to vector<16xi32>
      %swap3A_41 = vector.shape_cast %get3A_37 : vector<16xi32> to vector<16xi32>
      tpu.vector_store %arg13[%swap3A_38], %swap3A_41 {strides = array<i32>} : memref<64xi32, #tpu.memory_space<vmem>>, vector<16xi32>,
      %get3A_42 = arith.index_cast %add3A_19 : i32 to index
      %get3A_43 = arith.constant 48 : index
      %get3A_44 = tpu.vector_load %arg10[%get3A_42, %get3A_43] {strides = array<i32>} : memref<80x128xi32, #tpu.memory_space<vmem>>, vector<1x16xi32>,
      %get3A_45 = vector.shape_cast %get3A_44 : vector<1x16xi32> to vector<16xi32>
      %swap3A_46 = arith.constant 48 : index
      %swap3A_47 = tpu.vector_load %arg13[%swap3A_46] {strides = array<i32>} : memref<64xi32, #tpu.memory_space<vmem>>, vector<16xi32>,
      %swap3A_48 = vector.shape_cast %swap3A_47 : vector<16xi32> to vector<16xi32>
      %swap3A_49 = vector.shape_cast %get3A_45 : vector<16xi32> to vector<16xi32>
      tpu.vector_store %arg13[%swap3A_46], %swap3A_49 {strides = array<i32>} : memref<64xi32, #tpu.memory_space<vmem>>, vector<16xi32>,
      "tpu.region"() ({
        %run_scoped3A = tpu.sem_alloc : memref<!tpu.dma_semaphore, #tpu.memory_space<semaphore_mem>>
        %dma_start3A = arith.constant 0 : i32
        %dma_start3A_82 = arith.constant 0 : i32
        %dma_start3A_83 = tpu.memref_slice %arg14[%dma_start3A, %dma_start3A_82] : memref<128x128xf32, #tpu.memory_space<vmem>> -> memref<64x128xf32, #tpu.memory_space<vmem>>
        %dma_start3A_84 = arith.constant 0 : i32
        %dma_start3A_85 = arith.constant 0 : i32
        %dma_start3A_86 = tpu.memref_slice %arg15[%dma_start3A_84, %dma_start3A_85] : memref<10240x128xf32, #tpu.memory_space<vmem_shared>> -> memref<10240x128xf32, #tpu.memory_space<vmem_shared>>
        tpu.enqueue_indirect_dma source(%dma_start3A_83 : memref<64x128xf32, #tpu.memory_space<vmem>>) target(%dma_start3A_86 : memref<10240x128xf32, #tpu.memory_space<vmem_shared>>) offsets(%arg13 : memref<64xi32, #tpu.memory_space<vmem>>) semaphore(%run_scoped3A : memref<!tpu.dma_semaphore, #tpu.memory_space<semaphore_mem>>) {add = true}
        %dma_wait3A = arith.constant 0 : i32
        %dma_wait3A_87 = arith.constant 0 : i32
        %dma_wait3A_88 = tpu.memref_slice %arg14[%dma_wait3A, %dma_wait3A_87] : memref<128x128xf32, #tpu.memory_space<vmem>> -> memref<64x128xf32, #tpu.memory_space<vmem>>
        %dma_wait3A_89 = arith.constant 0 : i32
        %dma_wait3A_90 = arith.constant 0 : i32
        %dma_wait3A_91 = tpu.memref_slice %arg15[%dma_wait3A_89, %dma_wait3A_90] : memref<10240x128xf32, #tpu.memory_space<vmem_shared>> -> memref<10240x128xf32, #tpu.memory_space<vmem_shared>>
        tpu.wait_indirect_dma semaphore(%run_scoped3A : memref<!tpu.dma_semaphore, #tpu.memory_space<semaphore_mem>>) src(%dma_wait3A_88 : memref<64x128xf32, #tpu.memory_space<vmem>>) dst(%dma_wait3A_91 : memref<10240x128xf32, #tpu.memory_space<vmem_shared>>)
        tpu.yield
      }) : () -> ()
      %get3A_50 = arith.index_cast %add3A_19 : i32 to index
      %get3A_51 = arith.constant 64 : index
      %get3A_52 = tpu.vector_load %arg10[%get3A_50, %get3A_51] {strides = array<i32>} : memref<80x128xi32, #tpu.memory_space<vmem>>, vector<1x16xi32>,
      %get3A_53 = vector.shape_cast %get3A_52 : vector<1x16xi32> to vector<16xi32>
      %swap3A_54 = arith.constant 0 : index
      %swap3A_55 = tpu.vector_load %arg13[%swap3A_54] {strides = array<i32>} : memref<64xi32, #tpu.memory_space<vmem>>, vector<16xi32>,
      %swap3A_56 = vector.shape_cast %swap3A_55 : vector<16xi32> to vector<16xi32>
      %swap3A_57 = vector.shape_cast %get3A_53 : vector<16xi32> to vector<16xi32>
      tpu.vector_store %arg13[%swap3A_54], %swap3A_57 {strides = array<i32>} : memref<64xi32, #tpu.memory_space<vmem>>, vector<16xi32>,
      %get3A_58 = arith.index_cast %add3A_19 : i32 to index
      %get3A_59 = arith.constant 80 : index
      %get3A_60 = tpu.vector_load %arg10[%get3A_58, %get3A_59] {strides = array<i32>} : memref<80x128xi32, #tpu.memory_space<vmem>>, vector<1x16xi32>,
      %get3A_61 = vector.shape_cast %get3A_60 : vector<1x16xi32> to vector<16xi32>
      %swap3A_62 = arith.constant 16 : index
      %swap3A_63 = tpu.vector_load %arg13[%swap3A_62] {strides = array<i32>} : memref<64xi32, #tpu.memory_space<vmem>>, vector<16xi32>,
      %swap3A_64 = vector.shape_cast %swap3A_63 : vector<16xi32> to vector<16xi32>
      %swap3A_65 = vector.shape_cast %get3A_61 : vector<16xi32> to vector<16xi32>
      tpu.vector_store %arg13[%swap3A_62], %swap3A_65 {strides = array<i32>} : memref<64xi32, #tpu.memory_space<vmem>>, vector<16xi32>,
      %get3A_66 = arith.index_cast %add3A_19 : i32 to index
      %get3A_67 = arith.constant 96 : index
      %get3A_68 = tpu.vector_load %arg10[%get3A_66, %get3A_67] {strides = array<i32>} : memref<80x128xi32, #tpu.memory_space<vmem>>, vector<1x16xi32>,
      %get3A_69 = vector.shape_cast %get3A_68 : vector<1x16xi32> to vector<16xi32>
      %swap3A_70 = arith.constant 32 : index
      %swap3A_71 = tpu.vector_load %arg13[%swap3A_70] {strides = array<i32>} : memref<64xi32, #tpu.memory_space<vmem>>, vector<16xi32>,
      %swap3A_72 = vector.shape_cast %swap3A_71 : vector<16xi32> to vector<16xi32>
      %swap3A_73 = vector.shape_cast %get3A_69 : vector<16xi32> to vector<16xi32>
      tpu.vector_store %arg13[%swap3A_70], %swap3A_73 {strides = array<i32>} : memref<64xi32, #tpu.memory_space<vmem>>, vector<16xi32>,
      %get3A_74 = arith.index_cast %add3A_19 : i32 to index
      %get3A_75 = arith.constant 112 : index
      %get3A_76 = tpu.vector_load %arg10[%get3A_74, %get3A_75] {strides = array<i32>} : memref<80x128xi32, #tpu.memory_space<vmem>>, vector<1x16xi32>,
      %get3A_77 = vector.shape_cast %get3A_76 : vector<1x16xi32> to vector<16xi32>
      %swap3A_78 = arith.constant 48 : index
      %swap3A_79 = tpu.vector_load %arg13[%swap3A_78] {strides = array<i32>} : memref<64xi32, #tpu.memory_space<vmem>>, vector<16xi32>,
      %swap3A_80 = vector.shape_cast %swap3A_79 : vector<16xi32> to vector<16xi32>
      %swap3A_81 = vector.shape_cast %get3A_77 : vector<16xi32> to vector<16xi32>
      tpu.vector_store %arg13[%swap3A_78], %swap3A_81 {strides = array<i32>} : memref<64xi32, #tpu.memory_space<vmem>>, vector<16xi32>,
      "tpu.region"() ({
        %run_scoped3A = tpu.sem_alloc : memref<!tpu.dma_semaphore, #tpu.memory_space<semaphore_mem>>
        %dma_start3A = arith.constant 0 : i32
        %dma_start3A_82 = arith.constant 0 : i32
        %dma_start3A_83 = tpu.memref_slice %arg14[%dma_start3A, %dma_start3A_82] : memref<128x128xf32, #tpu.memory_space<vmem>> -> memref<64x128xf32, #tpu.memory_space<vmem>>
        %dma_start3A_84 = arith.constant 0 : i32
        %dma_start3A_85 = arith.constant 0 : i32
        %dma_start3A_86 = tpu.memref_slice %arg15[%dma_start3A_84, %dma_start3A_85] : memref<10240x128xf32, #tpu.memory_space<vmem_shared>> -> memref<10240x128xf32, #tpu.memory_space<vmem_shared>>
        tpu.enqueue_indirect_dma source(%dma_start3A_83 : memref<64x128xf32, #tpu.memory_space<vmem>>) target(%dma_start3A_86 : memref<10240x128xf32, #tpu.memory_space<vmem_shared>>) offsets(%arg13 : memref<64xi32, #tpu.memory_space<vmem>>) semaphore(%run_scoped3A : memref<!tpu.dma_semaphore, #tpu.memory_space<semaphore_mem>>) {add = true}
        %dma_wait3A = arith.constant 0 : i32
        %dma_wait3A_87 = arith.constant 0 : i32
        %dma_wait3A_88 = tpu.memref_slice %arg14[%dma_wait3A, %dma_wait3A_87] : memref<128x128xf32, #tpu.memory_space<vmem>> -> memref<64x128xf32, #tpu.memory_space<vmem>>
        %dma_wait3A_89 = arith.constant 0 : i32
        %dma_wait3A_90 = arith.constant 0 : i32
        %dma_wait3A_91 = tpu.memref_slice %arg15[%dma_wait3A_89, %dma_wait3A_90] : memref<10240x128xf32, #tpu.memory_space<vmem_shared>> -> memref<10240x128xf32, #tpu.memory_space<vmem_shared>>
        tpu.wait_indirect_dma semaphore(%run_scoped3A : memref<!tpu.dma_semaphore, #tpu.memory_space<semaphore_mem>>) src(%dma_wait3A_88 : memref<64x128xf32, #tpu.memory_space<vmem>>) dst(%dma_wait3A_91 : memref<10240x128xf32, #tpu.memory_space<vmem_shared>>)
        tpu.yield
      }) : () -> ()
    }
    %scan3A_13 = arith.constant 80 : i32
    %barrier3A_14 = arith.constant 0 : index
    tpu.barrier barrier_id(%barrier3A_14)
    "tpu.region"() ({
      %run_scoped3A = tpu.sem_alloc : memref<!tpu.dma_semaphore, #tpu.memory_space<semaphore_mem>>
      %dma_start3A = arith.constant 0 : i32
      %dma_start3A_15 = tpu.memref_slice %arg8[%arg0, %mul3A_2, %dma_start3A] : memref<2x10240x128xf32, #tpu.memory_space<hbm>> -> memref<1x640x128xf32, #tpu.memory_space<hbm>>
      %dma_start3A_16 = tpu.memref_squeeze %dma_start3A_15 : memref<1x640x128xf32, #tpu.memory_space<hbm>> -> memref<640x128xf32, #tpu.memory_space<hbm>>
      %dma_start3A_17 = arith.constant 0 : i32
      %dma_start3A_18 = tpu.memref_slice %arg15[%mul3A_2, %dma_start3A_17] : memref<10240x128xf32, #tpu.memory_space<vmem_shared>> -> memref<640x128xf32, #tpu.memory_space<vmem_shared>>
      tpu.enqueue_dma source(%dma_start3A_18 : memref<640x128xf32, #tpu.memory_space<vmem_shared>>) target(%dma_start3A_16 : memref<640x128xf32, #tpu.memory_space<hbm>>) target_semaphore(%run_scoped3A : memref<!tpu.dma_semaphore, #tpu.memory_space<semaphore_mem>>)
      %dma_wait3A = arith.constant 0 : i32
      %dma_wait3A_19 = tpu.memref_slice %arg8[%arg0, %mul3A_2, %dma_wait3A] : memref<2x10240x128xf32, #tpu.memory_space<hbm>> -> memref<1x640x128xf32, #tpu.memory_space<hbm>>
      %dma_wait3A_20 = tpu.memref_squeeze %dma_wait3A_19 : memref<1x640x128xf32, #tpu.memory_space<hbm>> -> memref<640x128xf32, #tpu.memory_space<hbm>>
      %dma_wait3A_21 = arith.constant 0 : i32
      %dma_wait3A_22 = tpu.memref_slice %arg15[%mul3A_2, %dma_wait3A_21] : memref<10240x128xf32, #tpu.memory_space<vmem_shared>> -> memref<640x128xf32, #tpu.memory_space<vmem_shared>>
      tpu.wait_dma2 semaphore(%run_scoped3A : memref<!tpu.dma_semaphore, #tpu.memory_space<semaphore_mem>>) src(%dma_wait3A_22 : memref<640x128xf32, #tpu.memory_space<vmem_shared>>) dst(%dma_wait3A_20 : memref<640x128xf32, #tpu.memory_space<hbm>>)
      tpu.yield
    }) : () -> ()
    return
  }
}

#map = affine_map<(d0, d1) -> (0, 0)>
#map1 = affine_map<(d0, d1) -> (0, 0, 0)>
module attributes {stable_mosaic.version = 14 : i64} {
  func.func @_sc_agg_body(%arg0: i32, %arg1: i32, %arg2: memref<10000x128xf32, #tpu.memory_space<hbm>>, %arg3: memref<32x80x128xi32, #tpu.memory_space<hbm>>, %arg4: memref<32x80x128xi32, #tpu.memory_space<hbm>>, %arg5: memref<640x128xf32, #tpu.memory_space<hbm>>, %arg6: memref<2x10240x128xf32, #tpu.memory_space<hbm>>, %arg7: memref<80x128xi32, #tpu.memory_space<vmem>>, %arg8: memref<80x128xi32, #tpu.memory_space<vmem>>, %arg9: memref<64xi32, #tpu.memory_space<vmem>>, %arg10: memref<64xi32, #tpu.memory_space<vmem>>, %arg11: memref<64xi32, #tpu.memory_space<vmem>>, %arg12: memref<128x128xf32, #tpu.memory_space<vmem>>, %arg13: memref<10240x128xf32, #tpu.memory_space<vmem_shared>>, %arg14: memref<!tpu.dma_semaphore, #tpu.memory_space<semaphore_mem>>) attributes {dimension_semantics = [#tpu.dimension_semantics<core_parallel>, #tpu.dimension_semantics<subcore_parallel>], iteration_bounds = array<i64: 2, 16>, scalar_prefetch = 0 : i64, scratch_operands = 8 : i64, tpu.core_type = #tpu.core_type<sc_vector_subcore>, window_params = [{transform_indices = #map}, {transform_indices = #map1}, {transform_indices = #map1}, {transform_indices = #map}, {transform_indices = #map1}]} {
    %mul3A = arith.constant 2 : i32
    %mul3A_0 = arith.muli %arg1, %mul3A : i32
    %add3A = arith.addi %mul3A_0, %arg0 : i32
    %mul3A_1 = arith.constant 640 : i32
    %mul3A_2 = arith.muli %arg1, %mul3A_1 : i32
    "tpu.region"() ({
      %run_scoped3A = tpu.sem_alloc : memref<!tpu.dma_semaphore, #tpu.memory_space<semaphore_mem>>
      %dma_start3A = arith.constant 0 : i32
      %dma_start3A_12 = tpu.memref_slice %arg13[%mul3A_2, %dma_start3A] : memref<10240x128xf32, #tpu.memory_space<vmem_shared>> -> memref<640x128xf32, #tpu.memory_space<vmem_shared>>
      tpu.enqueue_dma source(%arg5 : memref<640x128xf32, #tpu.memory_space<hbm>>) target(%dma_start3A_12 : memref<640x128xf32, #tpu.memory_space<vmem_shared>>) target_semaphore(%run_scoped3A : memref<!tpu.dma_semaphore, #tpu.memory_space<semaphore_mem>>)
      %dma_wait3A = arith.constant 0 : i32
      %dma_wait3A_13 = tpu.memref_slice %arg13[%mul3A_2, %dma_wait3A] : memref<10240x128xf32, #tpu.memory_space<vmem_shared>> -> memref<640x128xf32, #tpu.memory_space<vmem_shared>>
      tpu.wait_dma2 semaphore(%run_scoped3A : memref<!tpu.dma_semaphore, #tpu.memory_space<semaphore_mem>>) src(%arg5 : memref<640x128xf32, #tpu.memory_space<hbm>>) dst(%dma_wait3A_13 : memref<640x128xf32, #tpu.memory_space<vmem_shared>>)
      tpu.yield
    }) : () -> ()
    "tpu.region"() ({
      %run_scoped3A = tpu.sem_alloc : memref<!tpu.dma_semaphore, #tpu.memory_space<semaphore_mem>>
      %dma_start3A = arith.constant 0 : i32
      %dma_start3A_12 = arith.constant 0 : i32
      %dma_start3A_13 = tpu.memref_slice %arg3[%add3A, %dma_start3A, %dma_start3A_12] : memref<32x80x128xi32, #tpu.memory_space<hbm>> -> memref<1x80x128xi32, #tpu.memory_space<hbm>>
      %dma_start3A_14 = tpu.memref_squeeze %dma_start3A_13 : memref<1x80x128xi32, #tpu.memory_space<hbm>> -> memref<80x128xi32, #tpu.memory_space<hbm>>
      %dma_start3A_15 = arith.constant 0 : i32
      %dma_start3A_16 = arith.constant 0 : i32
      %dma_start3A_17 = tpu.memref_slice %arg3[%add3A, %dma_start3A_15, %dma_start3A_16] : memref<32x80x128xi32, #tpu.memory_space<hbm>> -> memref<1x80x128xi32, #tpu.memory_space<hbm>>
      %dma_start3A_18 = tpu.memref_squeeze %dma_start3A_17 : memref<1x80x128xi32, #tpu.memory_space<hbm>> -> memref<80x128xi32, #tpu.memory_space<hbm>>
      tpu.enqueue_dma source(%dma_start3A_18 : memref<80x128xi32, #tpu.memory_space<hbm>>) target(%arg7 : memref<80x128xi32, #tpu.memory_space<vmem>>) target_semaphore(%run_scoped3A : memref<!tpu.dma_semaphore, #tpu.memory_space<semaphore_mem>>)
      %dma_wait3A = arith.constant 0 : i32
      %dma_wait3A_19 = arith.constant 0 : i32
      %dma_wait3A_20 = tpu.memref_slice %arg3[%add3A, %dma_wait3A, %dma_wait3A_19] : memref<32x80x128xi32, #tpu.memory_space<hbm>> -> memref<1x80x128xi32, #tpu.memory_space<hbm>>
      %dma_wait3A_21 = tpu.memref_squeeze %dma_wait3A_20 : memref<1x80x128xi32, #tpu.memory_space<hbm>> -> memref<80x128xi32, #tpu.memory_space<hbm>>
      %dma_wait3A_22 = arith.constant 0 : i32
      %dma_wait3A_23 = arith.constant 0 : i32
      %dma_wait3A_24 = tpu.memref_slice %arg3[%add3A, %dma_wait3A_22, %dma_wait3A_23] : memref<32x80x128xi32, #tpu.memory_space<hbm>> -> memref<1x80x128xi32, #tpu.memory_space<hbm>>
      %dma_wait3A_25 = tpu.memref_squeeze %dma_wait3A_24 : memref<1x80x128xi32, #tpu.memory_space<hbm>> -> memref<80x128xi32, #tpu.memory_space<hbm>>
      tpu.wait_dma2 semaphore(%run_scoped3A : memref<!tpu.dma_semaphore, #tpu.memory_space<semaphore_mem>>) src(%dma_wait3A_25 : memref<80x128xi32, #tpu.memory_space<hbm>>) dst(%arg7 : memref<80x128xi32, #tpu.memory_space<vmem>>)
      tpu.yield
    }) : () -> ()
    "tpu.region"() ({
      %run_scoped3A = tpu.sem_alloc : memref<!tpu.dma_semaphore, #tpu.memory_space<semaphore_mem>>
      %dma_start3A = arith.constant 0 : i32
      %dma_start3A_12 = arith.constant 0 : i32
      %dma_start3A_13 = tpu.memref_slice %arg4[%add3A, %dma_start3A, %dma_start3A_12] : memref<32x80x128xi32, #tpu.memory_space<hbm>> -> memref<1x80x128xi32, #tpu.memory_space<hbm>>
      %dma_start3A_14 = tpu.memref_squeeze %dma_start3A_13 : memref<1x80x128xi32, #tpu.memory_space<hbm>> -> memref<80x128xi32, #tpu.memory_space<hbm>>
      %dma_start3A_15 = arith.constant 0 : i32
      %dma_start3A_16 = arith.constant 0 : i32
      %dma_start3A_17 = tpu.memref_slice %arg4[%add3A, %dma_start3A_15, %dma_start3A_16] : memref<32x80x128xi32, #tpu.memory_space<hbm>> -> memref<1x80x128xi32, #tpu.memory_space<hbm>>
      %dma_start3A_18 = tpu.memref_squeeze %dma_start3A_17 : memref<1x80x128xi32, #tpu.memory_space<hbm>> -> memref<80x128xi32, #tpu.memory_space<hbm>>
      tpu.enqueue_dma source(%dma_start3A_18 : memref<80x128xi32, #tpu.memory_space<hbm>>) target(%arg8 : memref<80x128xi32, #tpu.memory_space<vmem>>) target_semaphore(%run_scoped3A : memref<!tpu.dma_semaphore, #tpu.memory_space<semaphore_mem>>)
      %dma_wait3A = arith.constant 0 : i32
      %dma_wait3A_19 = arith.constant 0 : i32
      %dma_wait3A_20 = tpu.memref_slice %arg4[%add3A, %dma_wait3A, %dma_wait3A_19] : memref<32x80x128xi32, #tpu.memory_space<hbm>> -> memref<1x80x128xi32, #tpu.memory_space<hbm>>
      %dma_wait3A_21 = tpu.memref_squeeze %dma_wait3A_20 : memref<1x80x128xi32, #tpu.memory_space<hbm>> -> memref<80x128xi32, #tpu.memory_space<hbm>>
      %dma_wait3A_22 = arith.constant 0 : i32
      %dma_wait3A_23 = arith.constant 0 : i32
      %dma_wait3A_24 = tpu.memref_slice %arg4[%add3A, %dma_wait3A_22, %dma_wait3A_23] : memref<32x80x128xi32, #tpu.memory_space<hbm>> -> memref<1x80x128xi32, #tpu.memory_space<hbm>>
      %dma_wait3A_25 = tpu.memref_squeeze %dma_wait3A_24 : memref<1x80x128xi32, #tpu.memory_space<hbm>> -> memref<80x128xi32, #tpu.memory_space<hbm>>
      tpu.wait_dma2 semaphore(%run_scoped3A : memref<!tpu.dma_semaphore, #tpu.memory_space<semaphore_mem>>) src(%dma_wait3A_25 : memref<80x128xi32, #tpu.memory_space<hbm>>) dst(%arg8 : memref<80x128xi32, #tpu.memory_space<vmem>>)
      tpu.yield
    }) : () -> ()
    %barrier3A = arith.constant 0 : index
    tpu.barrier barrier_id(%barrier3A)
    %scan3A = arith.constant 0 : i32
    %scan3A_3 = arith.constant 80 : i32
    %scan3A_4 = arith.addi %scan3A, %scan3A_3 : i32
    %scan3A_5 = arith.constant 1 : i32
    scf.for %scan3A_12 = %scan3A to %scan3A_4 step %scan3A_5  : i32 {
      %mul3A_13 = arith.constant 1 : i32
      %mul3A_14 = arith.muli %scan3A_12, %mul3A_13 : i32
      %add3A_15 = arith.constant 0 : i32
      %add3A_16 = arith.addi %add3A_15, %mul3A_14 : i32
      %get3A = arith.index_cast %add3A_16 : i32 to index
      %get3A_17 = arith.constant 0 : index
      %get3A_18 = tpu.vector_load %arg7[%get3A, %get3A_17] {strides = array<i32>} : memref<80x128xi32, #tpu.memory_space<vmem>>, vector<1x16xi32>,
      %get3A_19 = vector.shape_cast %get3A_18 : vector<1x16xi32> to vector<16xi32>
      %swap3A = arith.constant 0 : index
      %swap3A_20 = tpu.vector_load %arg9[%swap3A] {strides = array<i32>} : memref<64xi32, #tpu.memory_space<vmem>>, vector<16xi32>,
      %swap3A_21 = vector.shape_cast %swap3A_20 : vector<16xi32> to vector<16xi32>
      %swap3A_22 = vector.shape_cast %get3A_19 : vector<16xi32> to vector<16xi32>
      tpu.vector_store %arg9[%swap3A], %swap3A_22 {strides = array<i32>} : memref<64xi32, #tpu.memory_space<vmem>>, vector<16xi32>,
      %get3A_23 = arith.index_cast %add3A_16 : i32 to index
      %get3A_24 = arith.constant 16 : index
      %get3A_25 = tpu.vector_load %arg7[%get3A_23, %get3A_24] {strides = array<i32>} : memref<80x128xi32, #tpu.memory_space<vmem>>, vector<1x16xi32>,
      %get3A_26 = vector.shape_cast %get3A_25 : vector<1x16xi32> to vector<16xi32>
      %swap3A_27 = arith.constant 16 : index
      %swap3A_28 = tpu.vector_load %arg9[%swap3A_27] {strides = array<i32>} : memref<64xi32, #tpu.memory_space<vmem>>, vector<16xi32>,
      %swap3A_29 = vector.shape_cast %swap3A_28 : vector<16xi32> to vector<16xi32>
      %swap3A_30 = vector.shape_cast %get3A_26 : vector<16xi32> to vector<16xi32>
      tpu.vector_store %arg9[%swap3A_27], %swap3A_30 {strides = array<i32>} : memref<64xi32, #tpu.memory_space<vmem>>, vector<16xi32>,
      %get3A_31 = arith.index_cast %add3A_16 : i32 to index
      %get3A_32 = arith.constant 32 : index
      %get3A_33 = tpu.vector_load %arg7[%get3A_31, %get3A_32] {strides = array<i32>} : memref<80x128xi32, #tpu.memory_space<vmem>>, vector<1x16xi32>,
      %get3A_34 = vector.shape_cast %get3A_33 : vector<1x16xi32> to vector<16xi32>
      %swap3A_35 = arith.constant 32 : index
      %swap3A_36 = tpu.vector_load %arg9[%swap3A_35] {strides = array<i32>} : memref<64xi32, #tpu.memory_space<vmem>>, vector<16xi32>,
      %swap3A_37 = vector.shape_cast %swap3A_36 : vector<16xi32> to vector<16xi32>
      %swap3A_38 = vector.shape_cast %get3A_34 : vector<16xi32> to vector<16xi32>
      tpu.vector_store %arg9[%swap3A_35], %swap3A_38 {strides = array<i32>} : memref<64xi32, #tpu.memory_space<vmem>>, vector<16xi32>,
      %get3A_39 = arith.index_cast %add3A_16 : i32 to index
      %get3A_40 = arith.constant 48 : index
      %get3A_41 = tpu.vector_load %arg7[%get3A_39, %get3A_40] {strides = array<i32>} : memref<80x128xi32, #tpu.memory_space<vmem>>, vector<1x16xi32>,
      %get3A_42 = vector.shape_cast %get3A_41 : vector<1x16xi32> to vector<16xi32>
      %swap3A_43 = arith.constant 48 : index
      %swap3A_44 = tpu.vector_load %arg9[%swap3A_43] {strides = array<i32>} : memref<64xi32, #tpu.memory_space<vmem>>, vector<16xi32>,
      %swap3A_45 = vector.shape_cast %swap3A_44 : vector<16xi32> to vector<16xi32>
      %swap3A_46 = vector.shape_cast %get3A_42 : vector<16xi32> to vector<16xi32>
      tpu.vector_store %arg9[%swap3A_43], %swap3A_46 {strides = array<i32>} : memref<64xi32, #tpu.memory_space<vmem>>, vector<16xi32>,
      %dma_start3A = arith.constant 0 : i32
      %dma_start3A_47 = arith.constant 0 : i32
      %dma_start3A_48 = tpu.memref_slice %arg12[%dma_start3A, %dma_start3A_47] : memref<128x128xf32, #tpu.memory_space<vmem>> -> memref<64x128xf32, #tpu.memory_space<vmem>>
      %dma_start3A_49 = arith.constant 0 : i32
      %dma_start3A_50 = arith.constant 0 : i32
      %dma_start3A_51 = tpu.memref_slice %arg2[%dma_start3A_49, %dma_start3A_50] : memref<10000x128xf32, #tpu.memory_space<hbm>> -> memref<10000x128xf32, #tpu.memory_space<hbm>>
      tpu.enqueue_indirect_dma source(%dma_start3A_51 : memref<10000x128xf32, #tpu.memory_space<hbm>>) target(%dma_start3A_48 : memref<64x128xf32, #tpu.memory_space<vmem>>) offsets(%arg9 : memref<64xi32, #tpu.memory_space<vmem>>) semaphore(%arg14 : memref<!tpu.dma_semaphore, #tpu.memory_space<semaphore_mem>>)
      %get3A_52 = arith.index_cast %add3A_16 : i32 to index
      %get3A_53 = arith.constant 64 : index
      %get3A_54 = tpu.vector_load %arg7[%get3A_52, %get3A_53] {strides = array<i32>} : memref<80x128xi32, #tpu.memory_space<vmem>>, vector<1x16xi32>,
      %get3A_55 = vector.shape_cast %get3A_54 : vector<1x16xi32> to vector<16xi32>
      %swap3A_56 = arith.constant 0 : index
      %swap3A_57 = tpu.vector_load %arg10[%swap3A_56] {strides = array<i32>} : memref<64xi32, #tpu.memory_space<vmem>>, vector<16xi32>,
      %swap3A_58 = vector.shape_cast %swap3A_57 : vector<16xi32> to vector<16xi32>
      %swap3A_59 = vector.shape_cast %get3A_55 : vector<16xi32> to vector<16xi32>
      tpu.vector_store %arg10[%swap3A_56], %swap3A_59 {strides = array<i32>} : memref<64xi32, #tpu.memory_space<vmem>>, vector<16xi32>,
      %get3A_60 = arith.index_cast %add3A_16 : i32 to index
      %get3A_61 = arith.constant 80 : index
      %get3A_62 = tpu.vector_load %arg7[%get3A_60, %get3A_61] {strides = array<i32>} : memref<80x128xi32, #tpu.memory_space<vmem>>, vector<1x16xi32>,
      %get3A_63 = vector.shape_cast %get3A_62 : vector<1x16xi32> to vector<16xi32>
      %swap3A_64 = arith.constant 16 : index
      %swap3A_65 = tpu.vector_load %arg10[%swap3A_64] {strides = array<i32>} : memref<64xi32, #tpu.memory_space<vmem>>, vector<16xi32>,
      %swap3A_66 = vector.shape_cast %swap3A_65 : vector<16xi32> to vector<16xi32>
      %swap3A_67 = vector.shape_cast %get3A_63 : vector<16xi32> to vector<16xi32>
      tpu.vector_store %arg10[%swap3A_64], %swap3A_67 {strides = array<i32>} : memref<64xi32, #tpu.memory_space<vmem>>, vector<16xi32>,
      %get3A_68 = arith.index_cast %add3A_16 : i32 to index
      %get3A_69 = arith.constant 96 : index
      %get3A_70 = tpu.vector_load %arg7[%get3A_68, %get3A_69] {strides = array<i32>} : memref<80x128xi32, #tpu.memory_space<vmem>>, vector<1x16xi32>,
      %get3A_71 = vector.shape_cast %get3A_70 : vector<1x16xi32> to vector<16xi32>
      %swap3A_72 = arith.constant 32 : index
      %swap3A_73 = tpu.vector_load %arg10[%swap3A_72] {strides = array<i32>} : memref<64xi32, #tpu.memory_space<vmem>>, vector<16xi32>,
      %swap3A_74 = vector.shape_cast %swap3A_73 : vector<16xi32> to vector<16xi32>
      %swap3A_75 = vector.shape_cast %get3A_71 : vector<16xi32> to vector<16xi32>
      tpu.vector_store %arg10[%swap3A_72], %swap3A_75 {strides = array<i32>} : memref<64xi32, #tpu.memory_space<vmem>>, vector<16xi32>,
      %get3A_76 = arith.index_cast %add3A_16 : i32 to index
      %get3A_77 = arith.constant 112 : index
      %get3A_78 = tpu.vector_load %arg7[%get3A_76, %get3A_77] {strides = array<i32>} : memref<80x128xi32, #tpu.memory_space<vmem>>, vector<1x16xi32>,
      %get3A_79 = vector.shape_cast %get3A_78 : vector<1x16xi32> to vector<16xi32>
      %swap3A_80 = arith.constant 48 : index
      %swap3A_81 = tpu.vector_load %arg10[%swap3A_80] {strides = array<i32>} : memref<64xi32, #tpu.memory_space<vmem>>, vector<16xi32>,
      %swap3A_82 = vector.shape_cast %swap3A_81 : vector<16xi32> to vector<16xi32>
      %swap3A_83 = vector.shape_cast %get3A_79 : vector<16xi32> to vector<16xi32>
      tpu.vector_store %arg10[%swap3A_80], %swap3A_83 {strides = array<i32>} : memref<64xi32, #tpu.memory_space<vmem>>, vector<16xi32>,
      %dma_start3A_84 = arith.constant 64 : i32
      %dma_start3A_85 = arith.constant 0 : i32
      %dma_start3A_86 = tpu.memref_slice %arg12[%dma_start3A_84, %dma_start3A_85] : memref<128x128xf32, #tpu.memory_space<vmem>> -> memref<64x128xf32, #tpu.memory_space<vmem>>
      %dma_start3A_87 = arith.constant 0 : i32
      %dma_start3A_88 = arith.constant 0 : i32
      %dma_start3A_89 = tpu.memref_slice %arg2[%dma_start3A_87, %dma_start3A_88] : memref<10000x128xf32, #tpu.memory_space<hbm>> -> memref<10000x128xf32, #tpu.memory_space<hbm>>
      tpu.enqueue_indirect_dma source(%dma_start3A_89 : memref<10000x128xf32, #tpu.memory_space<hbm>>) target(%dma_start3A_86 : memref<64x128xf32, #tpu.memory_space<vmem>>) offsets(%arg10 : memref<64xi32, #tpu.memory_space<vmem>>) semaphore(%arg14 : memref<!tpu.dma_semaphore, #tpu.memory_space<semaphore_mem>>)
      %get3A_90 = arith.index_cast %add3A_16 : i32 to index
      %get3A_91 = arith.constant 0 : index
      %get3A_92 = tpu.vector_load %arg8[%get3A_90, %get3A_91] {strides = array<i32>} : memref<80x128xi32, #tpu.memory_space<vmem>>, vector<1x16xi32>,
      %get3A_93 = vector.shape_cast %get3A_92 : vector<1x16xi32> to vector<16xi32>
      %swap3A_94 = arith.constant 0 : index
      %swap3A_95 = tpu.vector_load %arg11[%swap3A_94] {strides = array<i32>} : memref<64xi32, #tpu.memory_space<vmem>>, vector<16xi32>,
      %swap3A_96 = vector.shape_cast %swap3A_95 : vector<16xi32> to vector<16xi32>
      %swap3A_97 = vector.shape_cast %get3A_93 : vector<16xi32> to vector<16xi32>
      tpu.vector_store %arg11[%swap3A_94], %swap3A_97 {strides = array<i32>} : memref<64xi32, #tpu.memory_space<vmem>>, vector<16xi32>,
      %get3A_98 = arith.index_cast %add3A_16 : i32 to index
      %get3A_99 = arith.constant 16 : index
      %get3A_100 = tpu.vector_load %arg8[%get3A_98, %get3A_99] {strides = array<i32>} : memref<80x128xi32, #tpu.memory_space<vmem>>, vector<1x16xi32>,
      %get3A_101 = vector.shape_cast %get3A_100 : vector<1x16xi32> to vector<16xi32>
      %swap3A_102 = arith.constant 16 : index
      %swap3A_103 = tpu.vector_load %arg11[%swap3A_102] {strides = array<i32>} : memref<64xi32, #tpu.memory_space<vmem>>, vector<16xi32>,
      %swap3A_104 = vector.shape_cast %swap3A_103 : vector<16xi32> to vector<16xi32>
      %swap3A_105 = vector.shape_cast %get3A_101 : vector<16xi32> to vector<16xi32>
      tpu.vector_store %arg11[%swap3A_102], %swap3A_105 {strides = array<i32>} : memref<64xi32, #tpu.memory_space<vmem>>, vector<16xi32>,
      %get3A_106 = arith.index_cast %add3A_16 : i32 to index
      %get3A_107 = arith.constant 32 : index
      %get3A_108 = tpu.vector_load %arg8[%get3A_106, %get3A_107] {strides = array<i32>} : memref<80x128xi32, #tpu.memory_space<vmem>>, vector<1x16xi32>,
      %get3A_109 = vector.shape_cast %get3A_108 : vector<1x16xi32> to vector<16xi32>
      %swap3A_110 = arith.constant 32 : index
      %swap3A_111 = tpu.vector_load %arg11[%swap3A_110] {strides = array<i32>} : memref<64xi32, #tpu.memory_space<vmem>>, vector<16xi32>,
      %swap3A_112 = vector.shape_cast %swap3A_111 : vector<16xi32> to vector<16xi32>
      %swap3A_113 = vector.shape_cast %get3A_109 : vector<16xi32> to vector<16xi32>
      tpu.vector_store %arg11[%swap3A_110], %swap3A_113 {strides = array<i32>} : memref<64xi32, #tpu.memory_space<vmem>>, vector<16xi32>,
      %get3A_114 = arith.index_cast %add3A_16 : i32 to index
      %get3A_115 = arith.constant 48 : index
      %get3A_116 = tpu.vector_load %arg8[%get3A_114, %get3A_115] {strides = array<i32>} : memref<80x128xi32, #tpu.memory_space<vmem>>, vector<1x16xi32>,
      %get3A_117 = vector.shape_cast %get3A_116 : vector<1x16xi32> to vector<16xi32>
      %swap3A_118 = arith.constant 48 : index
      %swap3A_119 = tpu.vector_load %arg11[%swap3A_118] {strides = array<i32>} : memref<64xi32, #tpu.memory_space<vmem>>, vector<16xi32>,
      %swap3A_120 = vector.shape_cast %swap3A_119 : vector<16xi32> to vector<16xi32>
      %swap3A_121 = vector.shape_cast %get3A_117 : vector<16xi32> to vector<16xi32>
      tpu.vector_store %arg11[%swap3A_118], %swap3A_121 {strides = array<i32>} : memref<64xi32, #tpu.memory_space<vmem>>, vector<16xi32>,
      %dma_wait3A = arith.constant 0 : i32
      %dma_wait3A_122 = arith.constant 0 : i32
      %dma_wait3A_123 = tpu.memref_slice %arg12[%dma_wait3A, %dma_wait3A_122] : memref<128x128xf32, #tpu.memory_space<vmem>> -> memref<64x128xf32, #tpu.memory_space<vmem>>
      %dma_wait3A_124 = arith.constant 0 : i32
      %dma_wait3A_125 = arith.constant 0 : i32
      %dma_wait3A_126 = tpu.memref_slice %arg2[%dma_wait3A_124, %dma_wait3A_125] : memref<10000x128xf32, #tpu.memory_space<hbm>> -> memref<10000x128xf32, #tpu.memory_space<hbm>>
      tpu.wait_indirect_dma semaphore(%arg14 : memref<!tpu.dma_semaphore, #tpu.memory_space<semaphore_mem>>) src(%dma_wait3A_126 : memref<10000x128xf32, #tpu.memory_space<hbm>>) dst(%dma_wait3A_123 : memref<64x128xf32, #tpu.memory_space<vmem>>)
      "tpu.region"() ({
        %run_scoped3A = tpu.sem_alloc : memref<!tpu.dma_semaphore, #tpu.memory_space<semaphore_mem>>
        %dma_start3A_165 = arith.constant 0 : i32
        %dma_start3A_166 = arith.constant 0 : i32
        %dma_start3A_167 = tpu.memref_slice %arg12[%dma_start3A_165, %dma_start3A_166] : memref<128x128xf32, #tpu.memory_space<vmem>> -> memref<64x128xf32, #tpu.memory_space<vmem>>
        %dma_start3A_168 = arith.constant 0 : i32
        %dma_start3A_169 = arith.constant 0 : i32
        %dma_start3A_170 = tpu.memref_slice %arg13[%dma_start3A_168, %dma_start3A_169] : memref<10240x128xf32, #tpu.memory_space<vmem_shared>> -> memref<10240x128xf32, #tpu.memory_space<vmem_shared>>
        tpu.enqueue_indirect_dma source(%dma_start3A_167 : memref<64x128xf32, #tpu.memory_space<vmem>>) target(%dma_start3A_170 : memref<10240x128xf32, #tpu.memory_space<vmem_shared>>) offsets(%arg11 : memref<64xi32, #tpu.memory_space<vmem>>) semaphore(%run_scoped3A : memref<!tpu.dma_semaphore, #tpu.memory_space<semaphore_mem>>) {add = true}
        %dma_wait3A_171 = arith.constant 0 : i32
        %dma_wait3A_172 = arith.constant 0 : i32
        %dma_wait3A_173 = tpu.memref_slice %arg12[%dma_wait3A_171, %dma_wait3A_172] : memref<128x128xf32, #tpu.memory_space<vmem>> -> memref<64x128xf32, #tpu.memory_space<vmem>>
        %dma_wait3A_174 = arith.constant 0 : i32
        %dma_wait3A_175 = arith.constant 0 : i32
        %dma_wait3A_176 = tpu.memref_slice %arg13[%dma_wait3A_174, %dma_wait3A_175] : memref<10240x128xf32, #tpu.memory_space<vmem_shared>> -> memref<10240x128xf32, #tpu.memory_space<vmem_shared>>
        tpu.wait_indirect_dma semaphore(%run_scoped3A : memref<!tpu.dma_semaphore, #tpu.memory_space<semaphore_mem>>) src(%dma_wait3A_173 : memref<64x128xf32, #tpu.memory_space<vmem>>) dst(%dma_wait3A_176 : memref<10240x128xf32, #tpu.memory_space<vmem_shared>>)
        tpu.yield
      }) : () -> ()
      %get3A_127 = arith.index_cast %add3A_16 : i32 to index
      %get3A_128 = arith.constant 64 : index
      %get3A_129 = tpu.vector_load %arg8[%get3A_127, %get3A_128] {strides = array<i32>} : memref<80x128xi32, #tpu.memory_space<vmem>>, vector<1x16xi32>,
      %get3A_130 = vector.shape_cast %get3A_129 : vector<1x16xi32> to vector<16xi32>
      %swap3A_131 = arith.constant 0 : index
      %swap3A_132 = tpu.vector_load %arg11[%swap3A_131] {strides = array<i32>} : memref<64xi32, #tpu.memory_space<vmem>>, vector<16xi32>,
      %swap3A_133 = vector.shape_cast %swap3A_132 : vector<16xi32> to vector<16xi32>
      %swap3A_134 = vector.shape_cast %get3A_130 : vector<16xi32> to vector<16xi32>
      tpu.vector_store %arg11[%swap3A_131], %swap3A_134 {strides = array<i32>} : memref<64xi32, #tpu.memory_space<vmem>>, vector<16xi32>,
      %get3A_135 = arith.index_cast %add3A_16 : i32 to index
      %get3A_136 = arith.constant 80 : index
      %get3A_137 = tpu.vector_load %arg8[%get3A_135, %get3A_136] {strides = array<i32>} : memref<80x128xi32, #tpu.memory_space<vmem>>, vector<1x16xi32>,
      %get3A_138 = vector.shape_cast %get3A_137 : vector<1x16xi32> to vector<16xi32>
      %swap3A_139 = arith.constant 16 : index
      %swap3A_140 = tpu.vector_load %arg11[%swap3A_139] {strides = array<i32>} : memref<64xi32, #tpu.memory_space<vmem>>, vector<16xi32>,
      %swap3A_141 = vector.shape_cast %swap3A_140 : vector<16xi32> to vector<16xi32>
      %swap3A_142 = vector.shape_cast %get3A_138 : vector<16xi32> to vector<16xi32>
      tpu.vector_store %arg11[%swap3A_139], %swap3A_142 {strides = array<i32>} : memref<64xi32, #tpu.memory_space<vmem>>, vector<16xi32>,
      %get3A_143 = arith.index_cast %add3A_16 : i32 to index
      %get3A_144 = arith.constant 96 : index
      %get3A_145 = tpu.vector_load %arg8[%get3A_143, %get3A_144] {strides = array<i32>} : memref<80x128xi32, #tpu.memory_space<vmem>>, vector<1x16xi32>,
      %get3A_146 = vector.shape_cast %get3A_145 : vector<1x16xi32> to vector<16xi32>
      %swap3A_147 = arith.constant 32 : index
      %swap3A_148 = tpu.vector_load %arg11[%swap3A_147] {strides = array<i32>} : memref<64xi32, #tpu.memory_space<vmem>>, vector<16xi32>,
      %swap3A_149 = vector.shape_cast %swap3A_148 : vector<16xi32> to vector<16xi32>
      %swap3A_150 = vector.shape_cast %get3A_146 : vector<16xi32> to vector<16xi32>
      tpu.vector_store %arg11[%swap3A_147], %swap3A_150 {strides = array<i32>} : memref<64xi32, #tpu.memory_space<vmem>>, vector<16xi32>,
      %get3A_151 = arith.index_cast %add3A_16 : i32 to index
      %get3A_152 = arith.constant 112 : index
      %get3A_153 = tpu.vector_load %arg8[%get3A_151, %get3A_152] {strides = array<i32>} : memref<80x128xi32, #tpu.memory_space<vmem>>, vector<1x16xi32>,
      %get3A_154 = vector.shape_cast %get3A_153 : vector<1x16xi32> to vector<16xi32>
      %swap3A_155 = arith.constant 48 : index
      %swap3A_156 = tpu.vector_load %arg11[%swap3A_155] {strides = array<i32>} : memref<64xi32, #tpu.memory_space<vmem>>, vector<16xi32>,
      %swap3A_157 = vector.shape_cast %swap3A_156 : vector<16xi32> to vector<16xi32>
      %swap3A_158 = vector.shape_cast %get3A_154 : vector<16xi32> to vector<16xi32>
      tpu.vector_store %arg11[%swap3A_155], %swap3A_158 {strides = array<i32>} : memref<64xi32, #tpu.memory_space<vmem>>, vector<16xi32>,
      %dma_wait3A_159 = arith.constant 64 : i32
      %dma_wait3A_160 = arith.constant 0 : i32
      %dma_wait3A_161 = tpu.memref_slice %arg12[%dma_wait3A_159, %dma_wait3A_160] : memref<128x128xf32, #tpu.memory_space<vmem>> -> memref<64x128xf32, #tpu.memory_space<vmem>>
      %dma_wait3A_162 = arith.constant 0 : i32
      %dma_wait3A_163 = arith.constant 0 : i32
      %dma_wait3A_164 = tpu.memref_slice %arg2[%dma_wait3A_162, %dma_wait3A_163] : memref<10000x128xf32, #tpu.memory_space<hbm>> -> memref<10000x128xf32, #tpu.memory_space<hbm>>
      tpu.wait_indirect_dma semaphore(%arg14 : memref<!tpu.dma_semaphore, #tpu.memory_space<semaphore_mem>>) src(%dma_wait3A_164 : memref<10000x128xf32, #tpu.memory_space<hbm>>) dst(%dma_wait3A_161 : memref<64x128xf32, #tpu.memory_space<vmem>>)
      "tpu.region"() ({
        %run_scoped3A = tpu.sem_alloc : memref<!tpu.dma_semaphore, #tpu.memory_space<semaphore_mem>>
        %dma_start3A_165 = arith.constant 64 : i32
        %dma_start3A_166 = arith.constant 0 : i32
        %dma_start3A_167 = tpu.memref_slice %arg12[%dma_start3A_165, %dma_start3A_166] : memref<128x128xf32, #tpu.memory_space<vmem>> -> memref<64x128xf32, #tpu.memory_space<vmem>>
        %dma_start3A_168 = arith.constant 0 : i32
        %dma_start3A_169 = arith.constant 0 : i32
        %dma_start3A_170 = tpu.memref_slice %arg13[%dma_start3A_168, %dma_start3A_169] : memref<10240x128xf32, #tpu.memory_space<vmem_shared>> -> memref<10240x128xf32, #tpu.memory_space<vmem_shared>>
        tpu.enqueue_indirect_dma source(%dma_start3A_167 : memref<64x128xf32, #tpu.memory_space<vmem>>) target(%dma_start3A_170 : memref<10240x128xf32, #tpu.memory_space<vmem_shared>>) offsets(%arg11 : memref<64xi32, #tpu.memory_space<vmem>>) semaphore(%run_scoped3A : memref<!tpu.dma_semaphore, #tpu.memory_space<semaphore_mem>>) {add = true}
        %dma_wait3A_171 = arith.constant 64 : i32
        %dma_wait3A_172 = arith.constant 0 : i32
        %dma_wait3A_173 = tpu.memref_slice %arg12[%dma_wait3A_171, %dma_wait3A_172] : memref<128x128xf32, #tpu.memory_space<vmem>> -> memref<64x128xf32, #tpu.memory_space<vmem>>
        %dma_wait3A_174 = arith.constant 0 : i32
        %dma_wait3A_175 = arith.constant 0 : i32
        %dma_wait3A_176 = tpu.memref_slice %arg13[%dma_wait3A_174, %dma_wait3A_175] : memref<10240x128xf32, #tpu.memory_space<vmem_shared>> -> memref<10240x128xf32, #tpu.memory_space<vmem_shared>>
        tpu.wait_indirect_dma semaphore(%run_scoped3A : memref<!tpu.dma_semaphore, #tpu.memory_space<semaphore_mem>>) src(%dma_wait3A_173 : memref<64x128xf32, #tpu.memory_space<vmem>>) dst(%dma_wait3A_176 : memref<10240x128xf32, #tpu.memory_space<vmem_shared>>)
        tpu.yield
      }) : () -> ()
    }
    %scan3A_6 = arith.constant 80 : i32
    %barrier3A_7 = arith.constant 0 : index
    tpu.barrier barrier_id(%barrier3A_7)
    %mul3A_8 = arith.constant 640 : i32
    %mul3A_9 = arith.muli %arg1, %mul3A_8 : i32
    %mul3A_10 = arith.constant 640 : i32
    %mul3A_11 = arith.muli %arg1, %mul3A_10 : i32
    "tpu.region"() ({
      %run_scoped3A = tpu.sem_alloc : memref<!tpu.dma_semaphore, #tpu.memory_space<semaphore_mem>>
      %dma_start3A = arith.constant 0 : i32
      %dma_start3A_12 = tpu.memref_slice %arg6[%arg0, %mul3A_11, %dma_start3A] : memref<2x10240x128xf32, #tpu.memory_space<hbm>> -> memref<1x640x128xf32, #tpu.memory_space<hbm>>
      %dma_start3A_13 = tpu.memref_squeeze %dma_start3A_12 : memref<1x640x128xf32, #tpu.memory_space<hbm>> -> memref<640x128xf32, #tpu.memory_space<hbm>>
      %dma_start3A_14 = arith.constant 0 : i32
      %dma_start3A_15 = tpu.memref_slice %arg13[%mul3A_9, %dma_start3A_14] : memref<10240x128xf32, #tpu.memory_space<vmem_shared>> -> memref<640x128xf32, #tpu.memory_space<vmem_shared>>
      tpu.enqueue_dma source(%dma_start3A_15 : memref<640x128xf32, #tpu.memory_space<vmem_shared>>) target(%dma_start3A_13 : memref<640x128xf32, #tpu.memory_space<hbm>>) target_semaphore(%run_scoped3A : memref<!tpu.dma_semaphore, #tpu.memory_space<semaphore_mem>>)
      %dma_wait3A = arith.constant 0 : i32
      %dma_wait3A_16 = tpu.memref_slice %arg6[%arg0, %mul3A_11, %dma_wait3A] : memref<2x10240x128xf32, #tpu.memory_space<hbm>> -> memref<1x640x128xf32, #tpu.memory_space<hbm>>
      %dma_wait3A_17 = tpu.memref_squeeze %dma_wait3A_16 : memref<1x640x128xf32, #tpu.memory_space<hbm>> -> memref<640x128xf32, #tpu.memory_space<hbm>>
      %dma_wait3A_18 = arith.constant 0 : i32
      %dma_wait3A_19 = tpu.memref_slice %arg13[%mul3A_9, %dma_wait3A_18] : memref<10240x128xf32, #tpu.memory_space<vmem_shared>> -> memref<640x128xf32, #tpu.memory_space<vmem_shared>>
      tpu.wait_dma2 semaphore(%run_scoped3A : memref<!tpu.dma_semaphore, #tpu.memory_space<semaphore_mem>>) src(%dma_wait3A_19 : memref<640x128xf32, #tpu.memory_space<vmem_shared>>) dst(%dma_wait3A_17 : memref<640x128xf32, #tpu.memory_space<hbm>>)
      tpu.yield
    }) : () -> ()
    return
  }
}

module attributes {stable_mosaic.version = 14 : i64} {
  func.func @_sage_pre_body(%arg0: i32, %arg1: memref<1000x128xf32, #tpu.memory_space<vmem>>, %arg2: memref<1000x128xf32, #tpu.memory_space<vmem>>, %arg3: memref<1000x1xf32, #tpu.memory_space<vmem>>, %arg4: memref<1000x1xf32, #tpu.memory_space<vmem>>, %arg5: memref<1000x128xf32, #tpu.memory_space<vmem>>, %arg6: memref<128x128xf32, #tpu.memory_space<vmem>>, %arg7: memref<128x128xf32, #tpu.memory_space<vmem>>, %arg8: memref<1x128xf32, #tpu.memory_space<vmem>>, %arg9: memref<1000x128xf32, #tpu.memory_space<vmem>>, %arg10: memref<2x128xf32, #tpu.memory_space<vmem>>, %arg11: memref<1x128xf32, #tpu.memory_space<vmem>>, %arg12: memref<1x128xf32, #tpu.memory_space<vmem>>) attributes {dimension_semantics = [#tpu.dimension_semantics<arbitrary>], iteration_bounds = array<i64: 10>, scalar_prefetch = 0 : i64, scratch_operands = 2 : i64, tpu.core_type = #tpu.core_type<tc>, window_params = [{transform_indices = @transform_0, window_bounds = array<i64: 1000, 128>}, {transform_indices = @transform_1, window_bounds = array<i64: 1000, 128>}, {transform_indices = @transform_2, window_bounds = array<i64: 1000, 1>}, {transform_indices = @transform_3, window_bounds = array<i64: 1000, 1>}, {transform_indices = @transform_4, window_bounds = array<i64: 1000, 128>}, {pipeline_mode = #tpu.pipeline_mode<synchronous>, transform_indices = @transform_5, window_bounds = array<i64: 128, 128>}, {pipeline_mode = #tpu.pipeline_mode<synchronous>, transform_indices = @transform_6, window_bounds = array<i64: 128, 128>}, {pipeline_mode = #tpu.pipeline_mode<synchronous>, transform_indices = @transform_7, window_bounds = array<i64: 1, 128>}, {transform_indices = @transform_8, window_bounds = array<i64: 1000, 128>}, {pipeline_mode = #tpu.pipeline_mode<synchronous>, transform_indices = @transform_9, window_bounds = array<i64: 2, 128>}]} {
    %get3A = arith.constant 0 : index
    %get3A_0 = arith.constant 0 : index
    %get3A_1 = vector.load %arg1[%get3A, %get3A_0] : memref<1000x128xf32, #tpu.memory_space<vmem>>, vector<1000x128xf32>
    %get3A_2 = arith.constant 0 : index
    %get3A_3 = arith.constant 0 : index
    %get3A_4 = vector.load %arg2[%get3A_2, %get3A_3] : memref<1000x128xf32, #tpu.memory_space<vmem>>, vector<1000x128xf32>
    %add3A = arith.addf %get3A_1, %get3A_4 : vector<1000x128xf32>
    %get3A_5 = arith.constant 0 : index
    %get3A_6 = arith.constant 0 : index
    %get3A_7 = vector.load %arg3[%get3A_5, %get3A_6] : memref<1000x1xf32, #tpu.memory_space<vmem>>, vector<1000x1xf32>
    %get3A_8 = arith.constant 0 : index
    %get3A_9 = arith.constant 0 : index
    %get3A_10 = vector.load %arg4[%get3A_8, %get3A_9] : memref<1000x1xf32, #tpu.memory_space<vmem>>, vector<1000x1xf32>
    %add3A_11 = arith.addf %get3A_7, %get3A_10 : vector<1000x1xf32>
    %max3A = arith.constant 1.000000e+00 : f32
    %max3A_12 = vector.broadcast %max3A : f32 to vector<1000x1xf32>
    %max3A_13 = arith.maximumf %add3A_11, %max3A_12 : vector<1000x1xf32>
    %div3A = vector.broadcast %max3A_13 : vector<1000x1xf32> to vector<1000x128xf32>
    %div3A_14 = arith.divf %add3A, %div3A : vector<1000x128xf32>
    %get3A_15 = arith.constant 0 : index
    %get3A_16 = arith.constant 0 : index
    %get3A_17 = vector.load %arg6[%get3A_15, %get3A_16] : memref<128x128xf32, #tpu.memory_space<vmem>>, vector<128x128xf32>
    %dot_general3A = arith.constant dense<0.000000e+00> : vector<1000x128xf32>
    %dot_general3A_18 = tpu.matmul %div3A_14, %get3A_17, %dot_general3A {dimension_numbers = #tpu.dot_dimension_numbers<[1], [0], [0], [1], [0, 0, 1, 1], [], []>, precision = #tpu.contract_precision<fp32>, transpose_lhs_hint = false} : vector<1000x128xf32>, vector<128x128xf32>, vector<1000x128xf32> -> vector<1000x128xf32>
    %get3A_19 = arith.constant 0 : index
    %get3A_20 = arith.constant 0 : index
    %get3A_21 = vector.load %arg5[%get3A_19, %get3A_20] : memref<1000x128xf32, #tpu.memory_space<vmem>>, vector<1000x128xf32>
    %get3A_22 = arith.constant 0 : index
    %get3A_23 = arith.constant 0 : index
    %get3A_24 = vector.load %arg7[%get3A_22, %get3A_23] : memref<128x128xf32, #tpu.memory_space<vmem>>, vector<128x128xf32>
    %dot_general3A_25 = arith.constant dense<0.000000e+00> : vector<1000x128xf32>
    %dot_general3A_26 = tpu.matmul %get3A_21, %get3A_24, %dot_general3A_25 {dimension_numbers = #tpu.dot_dimension_numbers<[1], [0], [0], [1], [0, 0, 1, 1], [], []>, precision = #tpu.contract_precision<fp32>, transpose_lhs_hint = false} : vector<1000x128xf32>, vector<128x128xf32>, vector<1000x128xf32> -> vector<1000x128xf32>
    %add3A_27 = arith.addf %dot_general3A_18, %dot_general3A_26 : vector<1000x128xf32>
    %get3A_28 = arith.constant 0 : index
    %get3A_29 = arith.constant 0 : index
    %get3A_30 = vector.load %arg8[%get3A_28, %get3A_29] : memref<1x128xf32, #tpu.memory_space<vmem>>, vector<1x128xf32>
    %add3A_31 = vector.broadcast %get3A_30 : vector<1x128xf32> to vector<1000x128xf32>
    %add3A_32 = arith.addf %add3A_27, %add3A_31 : vector<1000x128xf32>
    %swap3A = arith.constant 0 : index
    %swap3A_33 = arith.constant 0 : index
    %swap3A_34 = vector.load %arg9[%swap3A, %swap3A_33] : memref<1000x128xf32, #tpu.memory_space<vmem>>, vector<1000x128xf32>
    tpu.vector_store %arg9[%swap3A, %swap3A_33], %add3A_32 {strides = array<i32>} : memref<1000x128xf32, #tpu.memory_space<vmem>>, vector<1000x128xf32>,
    %eq3A = arith.constant 0 : i32
    %eq3A_35 = arith.cmpi eq, %arg0, %eq3A : i32
    %convert_element_type3A = arith.extui %eq3A_35 : i1 to i32
    %cond3A = arith.constant 0 : i32
    %cond3A_36 = arith.cmpi ne, %convert_element_type3A, %cond3A : i32
    scf.if %cond3A_36 {
      %broadcast_in_dim3A_60 = arith.constant 0.000000e+00 : f32
      %broadcast_in_dim3A_61 = vector.broadcast %broadcast_in_dim3A_60 : f32 to vector<1x128xf32>
      %swap3A_62 = arith.constant 0 : index
      %swap3A_63 = arith.constant 0 : index
      %swap3A_64 = vector.load %arg11[%swap3A_62, %swap3A_63] : memref<1x128xf32, #tpu.memory_space<vmem>>, vector<1x128xf32>
      tpu.vector_store %arg11[%swap3A_62, %swap3A_63], %broadcast_in_dim3A_61 {strides = array<i32>} : memref<1x128xf32, #tpu.memory_space<vmem>>, vector<1x128xf32>,
      %broadcast_in_dim3A_65 = arith.constant 0.000000e+00 : f32
      %broadcast_in_dim3A_66 = vector.broadcast %broadcast_in_dim3A_65 : f32 to vector<1x128xf32>
      %swap3A_67 = arith.constant 0 : index
      %swap3A_68 = arith.constant 0 : index
      %swap3A_69 = vector.load %arg12[%swap3A_67, %swap3A_68] : memref<1x128xf32, #tpu.memory_space<vmem>>, vector<1x128xf32>
      tpu.vector_store %arg12[%swap3A_67, %swap3A_68], %broadcast_in_dim3A_66 {strides = array<i32>} : memref<1x128xf32, #tpu.memory_space<vmem>>, vector<1x128xf32>,
    } else {
    }
    %get3A_37 = arith.constant 0 : index
    %get3A_38 = arith.constant 0 : index
    %get3A_39 = vector.load %arg11[%get3A_37, %get3A_38] : memref<1x128xf32, #tpu.memory_space<vmem>>, vector<1x128xf32>
    %reduce_sum3A = arith.constant dense<0.000000e+00> : vector<128xf32>
    %reduce_sum3A_40 = vector.multi_reduction <add>, %add3A_32, %reduce_sum3A [0] : vector<1000x128xf32> to vector<128xf32>
    %broadcast_in_dim3A = vector.shape_cast %reduce_sum3A_40 : vector<128xf32> to vector<1x128xf32>
    %add3A_41 = arith.addf %get3A_39, %broadcast_in_dim3A : vector<1x128xf32>
    %swap3A_42 = arith.constant 0 : index
    %swap3A_43 = arith.constant 0 : index
    %swap3A_44 = vector.load %arg11[%swap3A_42, %swap3A_43] : memref<1x128xf32, #tpu.memory_space<vmem>>, vector<1x128xf32>
    tpu.vector_store %arg11[%swap3A_42, %swap3A_43], %add3A_41 {strides = array<i32>} : memref<1x128xf32, #tpu.memory_space<vmem>>, vector<1x128xf32>,
    %get3A_45 = arith.constant 0 : index
    %get3A_46 = arith.constant 0 : index
    %get3A_47 = vector.load %arg12[%get3A_45, %get3A_46] : memref<1x128xf32, #tpu.memory_space<vmem>>, vector<1x128xf32>
    %mul3A = arith.mulf %add3A_32, %add3A_32 : vector<1000x128xf32>
    %reduce_sum3A_48 = arith.constant dense<0.000000e+00> : vector<128xf32>
    %reduce_sum3A_49 = vector.multi_reduction <add>, %mul3A, %reduce_sum3A_48 [0] : vector<1000x128xf32> to vector<128xf32>
    %broadcast_in_dim3A_50 = vector.shape_cast %reduce_sum3A_49 : vector<128xf32> to vector<1x128xf32>
    %add3A_51 = arith.addf %get3A_47, %broadcast_in_dim3A_50 : vector<1x128xf32>
    %swap3A_52 = arith.constant 0 : index
    %swap3A_53 = arith.constant 0 : index
    %swap3A_54 = vector.load %arg12[%swap3A_52, %swap3A_53] : memref<1x128xf32, #tpu.memory_space<vmem>>, vector<1x128xf32>
    tpu.vector_store %arg12[%swap3A_52, %swap3A_53], %add3A_51 {strides = array<i32>} : memref<1x128xf32, #tpu.memory_space<vmem>>, vector<1x128xf32>,
    %eq3A_55 = arith.constant 9 : i32
    %eq3A_56 = arith.cmpi eq, %arg0, %eq3A_55 : i32
    %convert_element_type3A_57 = arith.extui %eq3A_56 : i1 to i32
    %cond3A_58 = arith.constant 0 : i32
    %cond3A_59 = arith.cmpi ne, %convert_element_type3A_57, %cond3A_58 : i32
    scf.if %cond3A_59 {
      %get3A_60 = arith.constant 0 : index
      %get3A_61 = arith.constant 0 : index
      %get3A_62 = vector.load %arg11[%get3A_60, %get3A_61] : memref<1x128xf32, #tpu.memory_space<vmem>>, vector<1x128xf32>
      %swap3A_63 = arith.constant 0 : index
      %swap3A_64 = arith.constant 0 : index
      %swap3A_65 = vector.load %arg10[%swap3A_63, %swap3A_64] : memref<2x128xf32, #tpu.memory_space<vmem>>, vector<1x128xf32>
      tpu.vector_store %arg10[%swap3A_63, %swap3A_64], %get3A_62 {strides = array<i32>} : memref<2x128xf32, #tpu.memory_space<vmem>>, vector<1x128xf32>,
      %get3A_66 = arith.constant 0 : index
      %get3A_67 = arith.constant 0 : index
      %get3A_68 = vector.load %arg12[%get3A_66, %get3A_67] : memref<1x128xf32, #tpu.memory_space<vmem>>, vector<1x128xf32>
      %swap3A_69 = arith.constant 1 : index
      %swap3A_70 = arith.constant 0 : index
      %swap3A_71 = vector.load %arg10[%swap3A_69, %swap3A_70] : memref<2x128xf32, #tpu.memory_space<vmem>>, vector<1x128xf32>
      tpu.vector_store %arg10[%swap3A_69, %swap3A_70], %get3A_68 {strides = array<i32>} : memref<2x128xf32, #tpu.memory_space<vmem>>, vector<1x128xf32>,
    } else {
    }
    return
  }
  func.func @transform_0(%arg0: i32) -> (i32, i32) {
    %c0_i32 = arith.constant 0 : i32
    %c0_i32_0 = arith.constant 0 : i32
    return %arg0, %c0_i32 : i32, i32
  }
  func.func @transform_1(%arg0: i32) -> (i32, i32) {
    %c0_i32 = arith.constant 0 : i32
    %c0_i32_0 = arith.constant 0 : i32
    return %arg0, %c0_i32 : i32, i32
  }
  func.func @transform_2(%arg0: i32) -> (i32, i32) {
    %c0_i32 = arith.constant 0 : i32
    %c0_i32_0 = arith.constant 0 : i32
    return %arg0, %c0_i32 : i32, i32
  }
  func.func @transform_3(%arg0: i32) -> (i32, i32) {
    %c0_i32 = arith.constant 0 : i32
    %c0_i32_0 = arith.constant 0 : i32
    return %arg0, %c0_i32 : i32, i32
  }
  func.func @transform_4(%arg0: i32) -> (i32, i32) {
    %c0_i32 = arith.constant 0 : i32
    %c0_i32_0 = arith.constant 0 : i32
    return %arg0, %c0_i32 : i32, i32
  }
  func.func @transform_5(%arg0: i32) -> (i32, i32) {
    %c0_i32 = arith.constant 0 : i32
    %c0_i32_0 = arith.constant 0 : i32
    %c0_i32_1 = arith.constant 0 : i32
    return %c0_i32, %c0_i32_0 : i32, i32
  }
  func.func @transform_6(%arg0: i32) -> (i32, i32) {
    %c0_i32 = arith.constant 0 : i32
    %c0_i32_0 = arith.constant 0 : i32
    %c0_i32_1 = arith.constant 0 : i32
    return %c0_i32, %c0_i32_0 : i32, i32
  }
  func.func @transform_7(%arg0: i32) -> (i32, i32) {
    %c0_i32 = arith.constant 0 : i32
    %c0_i32_0 = arith.constant 0 : i32
    %c0_i32_1 = arith.constant 0 : i32
    return %c0_i32, %c0_i32_0 : i32, i32
  }
  func.func @transform_8(%arg0: i32) -> (i32, i32) {
    %c0_i32 = arith.constant 0 : i32
    %c0_i32_0 = arith.constant 0 : i32
    return %arg0, %c0_i32 : i32, i32
  }
  func.func @transform_9(%arg0: i32) -> (i32, i32) {
    %c0_i32 = arith.constant 0 : i32
    %c0_i32_0 = arith.constant 0 : i32
    %c0_i32_1 = arith.constant 0 : i32
    return %c0_i32, %c0_i32_0 : i32, i32
  }
}

module attributes {stable_mosaic.version = 14 : i64} {
  func.func @_bn_relu_body(%arg0: i32, %arg1: memref<1000x128xf32, #tpu.memory_space<vmem>>, %arg2: memref<2x128xf32, #tpu.memory_space<vmem>>, %arg3: memref<1x128xf32, #tpu.memory_space<vmem>>, %arg4: memref<1x128xf32, #tpu.memory_space<vmem>>, %arg5: memref<1000x128xf32, #tpu.memory_space<vmem>>) attributes {dimension_semantics = [#tpu.dimension_semantics<arbitrary>], iteration_bounds = array<i64: 10>, scalar_prefetch = 0 : i64, scratch_operands = 0 : i64, tpu.core_type = #tpu.core_type<tc>, window_params = [{transform_indices = @transform_0, window_bounds = array<i64: 1000, 128>}, {pipeline_mode = #tpu.pipeline_mode<synchronous>, transform_indices = @transform_1, window_bounds = array<i64: 2, 128>}, {pipeline_mode = #tpu.pipeline_mode<synchronous>, transform_indices = @transform_2, window_bounds = array<i64: 1, 128>}, {pipeline_mode = #tpu.pipeline_mode<synchronous>, transform_indices = @transform_3, window_bounds = array<i64: 1, 128>}, {transform_indices = @transform_4, window_bounds = array<i64: 1000, 128>}]} {
    %get3A = arith.constant 0 : index
    %get3A_0 = arith.constant 0 : index
    %get3A_1 = vector.load %arg2[%get3A, %get3A_0] : memref<2x128xf32, #tpu.memory_space<vmem>>, vector<1x128xf32>
    %mul3A = arith.constant 9.99999974E-5 : f32
    %mul3A_2 = vector.broadcast %mul3A : f32 to vector<1x128xf32>
    %mul3A_3 = arith.mulf %get3A_1, %mul3A_2 : vector<1x128xf32>
    %get3A_4 = arith.constant 1 : index
    %get3A_5 = arith.constant 0 : index
    %get3A_6 = vector.load %arg2[%get3A_4, %get3A_5] : memref<2x128xf32, #tpu.memory_space<vmem>>, vector<1x128xf32>
    %mul3A_7 = arith.constant 9.99999974E-5 : f32
    %mul3A_8 = vector.broadcast %mul3A_7 : f32 to vector<1x128xf32>
    %mul3A_9 = arith.mulf %get3A_6, %mul3A_8 : vector<1x128xf32>
    %mul3A_10 = arith.mulf %mul3A_3, %mul3A_3 : vector<1x128xf32>
    %sub3A = arith.subf %mul3A_9, %mul3A_10 : vector<1x128xf32>
    %add3A = arith.constant 9.99999974E-6 : f32
    %add3A_11 = vector.broadcast %add3A : f32 to vector<1x128xf32>
    %add3A_12 = arith.addf %sub3A, %add3A_11 : vector<1x128xf32>
    %rsqrt3A = math.rsqrt %add3A_12 : vector<1x128xf32>
    %get3A_13 = arith.constant 0 : index
    %get3A_14 = arith.constant 0 : index
    %get3A_15 = vector.load %arg1[%get3A_13, %get3A_14] : memref<1000x128xf32, #tpu.memory_space<vmem>>, vector<1000x128xf32>
    %sub3A_16 = vector.broadcast %mul3A_3 : vector<1x128xf32> to vector<1000x128xf32>
    %sub3A_17 = arith.subf %get3A_15, %sub3A_16 : vector<1000x128xf32>
    %mul3A_18 = vector.broadcast %rsqrt3A : vector<1x128xf32> to vector<1000x128xf32>
    %mul3A_19 = arith.mulf %sub3A_17, %mul3A_18 : vector<1000x128xf32>
    %get3A_20 = arith.constant 0 : index
    %get3A_21 = arith.constant 0 : index
    %get3A_22 = vector.load %arg3[%get3A_20, %get3A_21] : memref<1x128xf32, #tpu.memory_space<vmem>>, vector<1x128xf32>
    %mul3A_23 = vector.broadcast %get3A_22 : vector<1x128xf32> to vector<1000x128xf32>
    %mul3A_24 = arith.mulf %mul3A_19, %mul3A_23 : vector<1000x128xf32>
    %get3A_25 = arith.constant 0 : index
    %get3A_26 = arith.constant 0 : index
    %get3A_27 = vector.load %arg4[%get3A_25, %get3A_26] : memref<1x128xf32, #tpu.memory_space<vmem>>, vector<1x128xf32>
    %add3A_28 = vector.broadcast %get3A_27 : vector<1x128xf32> to vector<1000x128xf32>
    %add3A_29 = arith.addf %mul3A_24, %add3A_28 : vector<1000x128xf32>
    %max3A = arith.constant 0.000000e+00 : f32
    %max3A_30 = vector.broadcast %max3A : f32 to vector<1000x128xf32>
    %max3A_31 = arith.maximumf %add3A_29, %max3A_30 : vector<1000x128xf32>
    %swap3A = arith.constant 0 : index
    %swap3A_32 = arith.constant 0 : index
    %swap3A_33 = vector.load %arg5[%swap3A, %swap3A_32] : memref<1000x128xf32, #tpu.memory_space<vmem>>, vector<1000x128xf32>
    tpu.vector_store %arg5[%swap3A, %swap3A_32], %max3A_31 {strides = array<i32>} : memref<1000x128xf32, #tpu.memory_space<vmem>>, vector<1000x128xf32>,
    return
  }
  func.func @transform_0(%arg0: i32) -> (i32, i32) {
    %c0_i32 = arith.constant 0 : i32
    %c0_i32_0 = arith.constant 0 : i32
    return %arg0, %c0_i32 : i32, i32
  }
  func.func @transform_1(%arg0: i32) -> (i32, i32) {
    %c0_i32 = arith.constant 0 : i32
    %c0_i32_0 = arith.constant 0 : i32
    %c0_i32_1 = arith.constant 0 : i32
    return %c0_i32, %c0_i32_0 : i32, i32
  }
  func.func @transform_2(%arg0: i32) -> (i32, i32) {
    %c0_i32 = arith.constant 0 : i32
    %c0_i32_0 = arith.constant 0 : i32
    %c0_i32_1 = arith.constant 0 : i32
    return %c0_i32, %c0_i32_0 : i32, i32
  }
  func.func @transform_3(%arg0: i32) -> (i32, i32) {
    %c0_i32 = arith.constant 0 : i32
    %c0_i32_0 = arith.constant 0 : i32
    %c0_i32_1 = arith.constant 0 : i32
    return %c0_i32, %c0_i32_0 : i32, i32
  }
  func.func @transform_4(%arg0: i32) -> (i32, i32) {
    %c0_i32 = arith.constant 0 : i32
    %c0_i32_0 = arith.constant 0 : i32
    return %arg0, %c0_i32 : i32, i32
  }
}

module attributes {stable_mosaic.version = 14 : i64} {
  func.func @_head_post_body(%arg0: i32, %arg1: memref<1000x256xf32, #tpu.memory_space<vmem>>, %arg2: memref<2x256xf32, #tpu.memory_space<vmem>>, %arg3: memref<1x256xf32, #tpu.memory_space<vmem>>, %arg4: memref<1x256xf32, #tpu.memory_space<vmem>>, %arg5: memref<256x128xf32, #tpu.memory_space<vmem>>, %arg6: memref<1x128xf32, #tpu.memory_space<vmem>>, %arg7: memref<1000x128xf32, #tpu.memory_space<vmem>>) attributes {dimension_semantics = [#tpu.dimension_semantics<arbitrary>], iteration_bounds = array<i64: 10>, scalar_prefetch = 0 : i64, scratch_operands = 0 : i64, tpu.core_type = #tpu.core_type<tc>, window_params = [{transform_indices = @transform_0, window_bounds = array<i64: 1000, 256>}, {pipeline_mode = #tpu.pipeline_mode<synchronous>, transform_indices = @transform_1, window_bounds = array<i64: 2, 256>}, {pipeline_mode = #tpu.pipeline_mode<synchronous>, transform_indices = @transform_2, window_bounds = array<i64: 1, 256>}, {pipeline_mode = #tpu.pipeline_mode<synchronous>, transform_indices = @transform_3, window_bounds = array<i64: 1, 256>}, {pipeline_mode = #tpu.pipeline_mode<synchronous>, transform_indices = @transform_4, window_bounds = array<i64: 256, 128>}, {pipeline_mode = #tpu.pipeline_mode<synchronous>, transform_indices = @transform_5, window_bounds = array<i64: 1, 128>}, {transform_indices = @transform_6, window_bounds = array<i64: 1000, 128>}]} {
    %get3A = arith.constant 0 : index
    %get3A_0 = arith.constant 0 : index
    %get3A_1 = vector.load %arg2[%get3A, %get3A_0] : memref<2x256xf32, #tpu.memory_space<vmem>>, vector<1x256xf32>
    %mul3A = arith.constant 9.99999974E-5 : f32
    %mul3A_2 = vector.broadcast %mul3A : f32 to vector<1x256xf32>
    %mul3A_3 = arith.mulf %get3A_1, %mul3A_2 : vector<1x256xf32>
    %get3A_4 = arith.constant 1 : index
    %get3A_5 = arith.constant 0 : index
    %get3A_6 = vector.load %arg2[%get3A_4, %get3A_5] : memref<2x256xf32, #tpu.memory_space<vmem>>, vector<1x256xf32>
    %mul3A_7 = arith.constant 9.99999974E-5 : f32
    %mul3A_8 = vector.broadcast %mul3A_7 : f32 to vector<1x256xf32>
    %mul3A_9 = arith.mulf %get3A_6, %mul3A_8 : vector<1x256xf32>
    %mul3A_10 = arith.mulf %mul3A_3, %mul3A_3 : vector<1x256xf32>
    %sub3A = arith.subf %mul3A_9, %mul3A_10 : vector<1x256xf32>
    %add3A = arith.constant 9.99999974E-6 : f32
    %add3A_11 = vector.broadcast %add3A : f32 to vector<1x256xf32>
    %add3A_12 = arith.addf %sub3A, %add3A_11 : vector<1x256xf32>
    %rsqrt3A = math.rsqrt %add3A_12 : vector<1x256xf32>
    %get3A_13 = arith.constant 0 : index
    %get3A_14 = arith.constant 0 : index
    %get3A_15 = vector.load %arg1[%get3A_13, %get3A_14] : memref<1000x256xf32, #tpu.memory_space<vmem>>, vector<1000x256xf32>
    %sub3A_16 = vector.broadcast %mul3A_3 : vector<1x256xf32> to vector<1000x256xf32>
    %sub3A_17 = arith.subf %get3A_15, %sub3A_16 : vector<1000x256xf32>
    %mul3A_18 = vector.broadcast %rsqrt3A : vector<1x256xf32> to vector<1000x256xf32>
    %mul3A_19 = arith.mulf %sub3A_17, %mul3A_18 : vector<1000x256xf32>
    %get3A_20 = arith.constant 0 : index
    %get3A_21 = arith.constant 0 : index
    %get3A_22 = vector.load %arg3[%get3A_20, %get3A_21] : memref<1x256xf32, #tpu.memory_space<vmem>>, vector<1x256xf32>
    %mul3A_23 = vector.broadcast %get3A_22 : vector<1x256xf32> to vector<1000x256xf32>
    %mul3A_24 = arith.mulf %mul3A_19, %mul3A_23 : vector<1000x256xf32>
    %get3A_25 = arith.constant 0 : index
    %get3A_26 = arith.constant 0 : index
    %get3A_27 = vector.load %arg4[%get3A_25, %get3A_26] : memref<1x256xf32, #tpu.memory_space<vmem>>, vector<1x256xf32>
    %add3A_28 = vector.broadcast %get3A_27 : vector<1x256xf32> to vector<1000x256xf32>
    %add3A_29 = arith.addf %mul3A_24, %add3A_28 : vector<1000x256xf32>
    %gt3A = arith.constant 0.000000e+00 : f32
    %gt3A_30 = vector.broadcast %gt3A : f32 to vector<1000x256xf32>
    %gt3A_31 = arith.cmpf ogt, %add3A_29, %gt3A_30 : vector<1000x256xf32>
    %mul3A_32 = arith.constant 0.00999999977 : f32
    %mul3A_33 = vector.broadcast %mul3A_32 : f32 to vector<1000x256xf32>
    %mul3A_34 = arith.mulf %mul3A_33, %add3A_29 : vector<1000x256xf32>
    %select_n3A = arith.select %gt3A_31, %add3A_29, %mul3A_34 : vector<1000x256xi1>, vector<1000x256xf32>
    %get3A_35 = arith.constant 0 : index
    %get3A_36 = arith.constant 0 : index
    %get3A_37 = vector.load %arg5[%get3A_35, %get3A_36] : memref<256x128xf32, #tpu.memory_space<vmem>>, vector<256x128xf32>
    %dot_general3A = arith.constant dense<0.000000e+00> : vector<1000x128xf32>
    %dot_general3A_38 = tpu.matmul %select_n3A, %get3A_37, %dot_general3A {dimension_numbers = #tpu.dot_dimension_numbers<[1], [0], [0], [1], [0, 0, 1, 1], [], []>, precision = #tpu.contract_precision<fp32>, transpose_lhs_hint = false} : vector<1000x256xf32>, vector<256x128xf32>, vector<1000x128xf32> -> vector<1000x128xf32>
    %get3A_39 = arith.constant 0 : index
    %get3A_40 = arith.constant 0 : index
    %get3A_41 = vector.load %arg6[%get3A_39, %get3A_40] : memref<1x128xf32, #tpu.memory_space<vmem>>, vector<1x128xf32>
    %add3A_42 = vector.broadcast %get3A_41 : vector<1x128xf32> to vector<1000x128xf32>
    %add3A_43 = arith.addf %dot_general3A_38, %add3A_42 : vector<1000x128xf32>
    %swap3A = arith.constant 0 : index
    %swap3A_44 = arith.constant 0 : index
    %swap3A_45 = vector.load %arg7[%swap3A, %swap3A_44] : memref<1000x128xf32, #tpu.memory_space<vmem>>, vector<1000x128xf32>
    tpu.vector_store %arg7[%swap3A, %swap3A_44], %add3A_43 {strides = array<i32>} : memref<1000x128xf32, #tpu.memory_space<vmem>>, vector<1000x128xf32>,
    return
  }
  func.func @transform_0(%arg0: i32) -> (i32, i32) {
    %c0_i32 = arith.constant 0 : i32
    %c0_i32_0 = arith.constant 0 : i32
    return %arg0, %c0_i32 : i32, i32
  }
  func.func @transform_1(%arg0: i32) -> (i32, i32) {
    %c0_i32 = arith.constant 0 : i32
    %c0_i32_0 = arith.constant 0 : i32
    %c0_i32_1 = arith.constant 0 : i32
    return %c0_i32, %c0_i32_0 : i32, i32
  }
  func.func @transform_2(%arg0: i32) -> (i32, i32) {
    %c0_i32 = arith.constant 0 : i32
    %c0_i32_0 = arith.constant 0 : i32
    %c0_i32_1 = arith.constant 0 : i32
    return %c0_i32, %c0_i32_0 : i32, i32
  }
  func.func @transform_3(%arg0: i32) -> (i32, i32) {
    %c0_i32 = arith.constant 0 : i32
    %c0_i32_0 = arith.constant 0 : i32
    %c0_i32_1 = arith.constant 0 : i32
    return %c0_i32, %c0_i32_0 : i32, i32
  }
  func.func @transform_4(%arg0: i32) -> (i32, i32) {
    %c0_i32 = arith.constant 0 : i32
    %c0_i32_0 = arith.constant 0 : i32
    %c0_i32_1 = arith.constant 0 : i32
    return %c0_i32, %c0_i32_0 : i32, i32
  }
  func.func @transform_5(%arg0: i32) -> (i32, i32) {
    %c0_i32 = arith.constant 0 : i32
    %c0_i32_0 = arith.constant 0 : i32
    %c0_i32_1 = arith.constant 0 : i32
    return %c0_i32, %c0_i32_0 : i32, i32
  }
  func.func @transform_6(%arg0: i32) -> (i32, i32) {
    %c0_i32 = arith.constant 0 : i32
    %c0_i32_0 = arith.constant 0 : i32
    return %arg0, %c0_i32 : i32, i32
  }
}

module attributes {stable_mosaic.version = 14 : i64} {
  func.func @_bn2_head_pre_body(%arg0: i32, %arg1: memref<1000x128xf32, #tpu.memory_space<vmem>>, %arg2: memref<2x128xf32, #tpu.memory_space<vmem>>, %arg3: memref<1x128xf32, #tpu.memory_space<vmem>>, %arg4: memref<1x128xf32, #tpu.memory_space<vmem>>, %arg5: memref<1000x128xf32, #tpu.memory_space<vmem>>, %arg6: memref<1000x128xf32, #tpu.memory_space<vmem>>, %arg7: memref<384x256xf32, #tpu.memory_space<vmem>>, %arg8: memref<1x256xf32, #tpu.memory_space<vmem>>, %arg9: memref<1000x256xf32, #tpu.memory_space<vmem>>, %arg10: memref<2x256xf32, #tpu.memory_space<vmem>>, %arg11: memref<1x256xf32, #tpu.memory_space<vmem>>, %arg12: memref<1x256xf32, #tpu.memory_space<vmem>>) attributes {dimension_semantics = [#tpu.dimension_semantics<arbitrary>], iteration_bounds = array<i64: 10>, scalar_prefetch = 0 : i64, scratch_operands = 2 : i64, tpu.core_type = #tpu.core_type<tc>, window_params = [{transform_indices = @transform_0, window_bounds = array<i64: 1000, 128>}, {pipeline_mode = #tpu.pipeline_mode<synchronous>, transform_indices = @transform_1, window_bounds = array<i64: 2, 128>}, {pipeline_mode = #tpu.pipeline_mode<synchronous>, transform_indices = @transform_2, window_bounds = array<i64: 1, 128>}, {pipeline_mode = #tpu.pipeline_mode<synchronous>, transform_indices = @transform_3, window_bounds = array<i64: 1, 128>}, {transform_indices = @transform_4, window_bounds = array<i64: 1000, 128>}, {transform_indices = @transform_5, window_bounds = array<i64: 1000, 128>}, {pipeline_mode = #tpu.pipeline_mode<synchronous>, transform_indices = @transform_6, window_bounds = array<i64: 384, 256>}, {pipeline_mode = #tpu.pipeline_mode<synchronous>, transform_indices = @transform_7, window_bounds = array<i64: 1, 256>}, {transform_indices = @transform_8, window_bounds = array<i64: 1000, 256>}, {pipeline_mode = #tpu.pipeline_mode<synchronous>, transform_indices = @transform_9, window_bounds = array<i64: 2, 256>}]} {
    %get3A = arith.constant 0 : index
    %get3A_0 = arith.constant 0 : index
    %get3A_1 = vector.load %arg2[%get3A, %get3A_0] : memref<2x128xf32, #tpu.memory_space<vmem>>, vector<1x128xf32>
    %mul3A = arith.constant 9.99999974E-5 : f32
    %mul3A_2 = vector.broadcast %mul3A : f32 to vector<1x128xf32>
    %mul3A_3 = arith.mulf %get3A_1, %mul3A_2 : vector<1x128xf32>
    %get3A_4 = arith.constant 1 : index
    %get3A_5 = arith.constant 0 : index
    %get3A_6 = vector.load %arg2[%get3A_4, %get3A_5] : memref<2x128xf32, #tpu.memory_space<vmem>>, vector<1x128xf32>
    %mul3A_7 = arith.constant 9.99999974E-5 : f32
    %mul3A_8 = vector.broadcast %mul3A_7 : f32 to vector<1x128xf32>
    %mul3A_9 = arith.mulf %get3A_6, %mul3A_8 : vector<1x128xf32>
    %mul3A_10 = arith.mulf %mul3A_3, %mul3A_3 : vector<1x128xf32>
    %sub3A = arith.subf %mul3A_9, %mul3A_10 : vector<1x128xf32>
    %add3A = arith.constant 9.99999974E-6 : f32
    %add3A_11 = vector.broadcast %add3A : f32 to vector<1x128xf32>
    %add3A_12 = arith.addf %sub3A, %add3A_11 : vector<1x128xf32>
    %rsqrt3A = math.rsqrt %add3A_12 : vector<1x128xf32>
    %get3A_13 = arith.constant 0 : index
    %get3A_14 = arith.constant 0 : index
    %get3A_15 = vector.load %arg1[%get3A_13, %get3A_14] : memref<1000x128xf32, #tpu.memory_space<vmem>>, vector<1000x128xf32>
    %sub3A_16 = vector.broadcast %mul3A_3 : vector<1x128xf32> to vector<1000x128xf32>
    %sub3A_17 = arith.subf %get3A_15, %sub3A_16 : vector<1000x128xf32>
    %mul3A_18 = vector.broadcast %rsqrt3A : vector<1x128xf32> to vector<1000x128xf32>
    %mul3A_19 = arith.mulf %sub3A_17, %mul3A_18 : vector<1000x128xf32>
    %get3A_20 = arith.constant 0 : index
    %get3A_21 = arith.constant 0 : index
    %get3A_22 = vector.load %arg3[%get3A_20, %get3A_21] : memref<1x128xf32, #tpu.memory_space<vmem>>, vector<1x128xf32>
    %mul3A_23 = vector.broadcast %get3A_22 : vector<1x128xf32> to vector<1000x128xf32>
    %mul3A_24 = arith.mulf %mul3A_19, %mul3A_23 : vector<1000x128xf32>
    %get3A_25 = arith.constant 0 : index
    %get3A_26 = arith.constant 0 : index
    %get3A_27 = vector.load %arg4[%get3A_25, %get3A_26] : memref<1x128xf32, #tpu.memory_space<vmem>>, vector<1x128xf32>
    %add3A_28 = vector.broadcast %get3A_27 : vector<1x128xf32> to vector<1000x128xf32>
    %add3A_29 = arith.addf %mul3A_24, %add3A_28 : vector<1000x128xf32>
    %max3A = arith.constant 0.000000e+00 : f32
    %max3A_30 = vector.broadcast %max3A : f32 to vector<1000x128xf32>
    %max3A_31 = arith.maximumf %add3A_29, %max3A_30 : vector<1000x128xf32>
    %get3A_32 = arith.constant 0 : index
    %get3A_33 = arith.constant 0 : index
    %get3A_34 = vector.load %arg5[%get3A_32, %get3A_33] : memref<1000x128xf32, #tpu.memory_space<vmem>>, vector<1000x128xf32>
    %get3A_35 = arith.constant 0 : index
    %get3A_36 = arith.constant 0 : index
    %get3A_37 = vector.load %arg7[%get3A_35, %get3A_36] : memref<384x256xf32, #tpu.memory_space<vmem>>, vector<128x256xf32>
    %dot_general3A = arith.constant dense<0.000000e+00> : vector<1000x256xf32>
    %dot_general3A_38 = tpu.matmul %get3A_34, %get3A_37, %dot_general3A {dimension_numbers = #tpu.dot_dimension_numbers<[1], [0], [0], [1], [0, 0, 1, 1], [], []>, precision = #tpu.contract_precision<fp32>, transpose_lhs_hint = false} : vector<1000x128xf32>, vector<128x256xf32>, vector<1000x256xf32> -> vector<1000x256xf32>
    %get3A_39 = arith.constant 0 : index
    %get3A_40 = arith.constant 0 : index
    %get3A_41 = vector.load %arg6[%get3A_39, %get3A_40] : memref<1000x128xf32, #tpu.memory_space<vmem>>, vector<1000x128xf32>
    %get3A_42 = arith.constant 128 : index
    %get3A_43 = arith.constant 0 : index
    %get3A_44 = vector.load %arg7[%get3A_42, %get3A_43] : memref<384x256xf32, #tpu.memory_space<vmem>>, vector<128x256xf32>
    %dot_general3A_45 = arith.constant dense<0.000000e+00> : vector<1000x256xf32>
    %dot_general3A_46 = tpu.matmul %get3A_41, %get3A_44, %dot_general3A_45 {dimension_numbers = #tpu.dot_dimension_numbers<[1], [0], [0], [1], [0, 0, 1, 1], [], []>, precision = #tpu.contract_precision<fp32>, transpose_lhs_hint = false} : vector<1000x128xf32>, vector<128x256xf32>, vector<1000x256xf32> -> vector<1000x256xf32>
    %add3A_47 = arith.addf %dot_general3A_38, %dot_general3A_46 : vector<1000x256xf32>
    %get3A_48 = arith.constant 256 : index
    %get3A_49 = arith.constant 0 : index
    %get3A_50 = vector.load %arg7[%get3A_48, %get3A_49] : memref<384x256xf32, #tpu.memory_space<vmem>>, vector<128x256xf32>
    %dot_general3A_51 = arith.constant dense<0.000000e+00> : vector<1000x256xf32>
    %dot_general3A_52 = tpu.matmul %max3A_31, %get3A_50, %dot_general3A_51 {dimension_numbers = #tpu.dot_dimension_numbers<[1], [0], [0], [1], [0, 0, 1, 1], [], []>, precision = #tpu.contract_precision<fp32>, transpose_lhs_hint = false} : vector<1000x128xf32>, vector<128x256xf32>, vector<1000x256xf32> -> vector<1000x256xf32>
    %add3A_53 = arith.addf %add3A_47, %dot_general3A_52 : vector<1000x256xf32>
    %get3A_54 = arith.constant 0 : index
    %get3A_55 = arith.constant 0 : index
    %get3A_56 = vector.load %arg8[%get3A_54, %get3A_55] : memref<1x256xf32, #tpu.memory_space<vmem>>, vector<1x256xf32>
    %add3A_57 = vector.broadcast %get3A_56 : vector<1x256xf32> to vector<1000x256xf32>
    %add3A_58 = arith.addf %add3A_53, %add3A_57 : vector<1000x256xf32>
    %swap3A = arith.constant 0 : index
    %swap3A_59 = arith.constant 0 : index
    %swap3A_60 = vector.load %arg9[%swap3A, %swap3A_59] : memref<1000x256xf32, #tpu.memory_space<vmem>>, vector<1000x256xf32>
    tpu.vector_store %arg9[%swap3A, %swap3A_59], %add3A_58 {strides = array<i32>} : memref<1000x256xf32, #tpu.memory_space<vmem>>, vector<1000x256xf32>,
    %eq3A = arith.constant 0 : i32
    %eq3A_61 = arith.cmpi eq, %arg0, %eq3A : i32
    %convert_element_type3A = arith.extui %eq3A_61 : i1 to i32
    %cond3A = arith.constant 0 : i32
    %cond3A_62 = arith.cmpi ne, %convert_element_type3A, %cond3A : i32
    scf.if %cond3A_62 {
      %broadcast_in_dim3A_87 = arith.constant 0.000000e+00 : f32
      %broadcast_in_dim3A_88 = vector.broadcast %broadcast_in_dim3A_87 : f32 to vector<1x256xf32>
      %swap3A_89 = arith.constant 0 : index
      %swap3A_90 = arith.constant 0 : index
      %swap3A_91 = vector.load %arg11[%swap3A_89, %swap3A_90] : memref<1x256xf32, #tpu.memory_space<vmem>>, vector<1x256xf32>
      tpu.vector_store %arg11[%swap3A_89, %swap3A_90], %broadcast_in_dim3A_88 {strides = array<i32>} : memref<1x256xf32, #tpu.memory_space<vmem>>, vector<1x256xf32>,
      %broadcast_in_dim3A_92 = arith.constant 0.000000e+00 : f32
      %broadcast_in_dim3A_93 = vector.broadcast %broadcast_in_dim3A_92 : f32 to vector<1x256xf32>
      %swap3A_94 = arith.constant 0 : index
      %swap3A_95 = arith.constant 0 : index
      %swap3A_96 = vector.load %arg12[%swap3A_94, %swap3A_95] : memref<1x256xf32, #tpu.memory_space<vmem>>, vector<1x256xf32>
      tpu.vector_store %arg12[%swap3A_94, %swap3A_95], %broadcast_in_dim3A_93 {strides = array<i32>} : memref<1x256xf32, #tpu.memory_space<vmem>>, vector<1x256xf32>,
    } else {
    }
    %get3A_63 = arith.constant 0 : index
    %get3A_64 = arith.constant 0 : index
    %get3A_65 = vector.load %arg11[%get3A_63, %get3A_64] : memref<1x256xf32, #tpu.memory_space<vmem>>, vector<1x256xf32>
    %reduce_sum3A = arith.constant dense<0.000000e+00> : vector<256xf32>
    %reduce_sum3A_66 = vector.multi_reduction <add>, %add3A_58, %reduce_sum3A [0] : vector<1000x256xf32> to vector<256xf32>
    %broadcast_in_dim3A = vector.shape_cast %reduce_sum3A_66 : vector<256xf32> to vector<1x256xf32>
    %add3A_67 = arith.addf %get3A_65, %broadcast_in_dim3A : vector<1x256xf32>
    %swap3A_68 = arith.constant 0 : index
    %swap3A_69 = arith.constant 0 : index
    %swap3A_70 = vector.load %arg11[%swap3A_68, %swap3A_69] : memref<1x256xf32, #tpu.memory_space<vmem>>, vector<1x256xf32>
    tpu.vector_store %arg11[%swap3A_68, %swap3A_69], %add3A_67 {strides = array<i32>} : memref<1x256xf32, #tpu.memory_space<vmem>>, vector<1x256xf32>,
    %get3A_71 = arith.constant 0 : index
    %get3A_72 = arith.constant 0 : index
    %get3A_73 = vector.load %arg12[%get3A_71, %get3A_72] : memref<1x256xf32, #tpu.memory_space<vmem>>, vector<1x256xf32>
    %mul3A_74 = arith.mulf %add3A_58, %add3A_58 : vector<1000x256xf32>
    %reduce_sum3A_75 = arith.constant dense<0.000000e+00> : vector<256xf32>
    %reduce_sum3A_76 = vector.multi_reduction <add>, %mul3A_74, %reduce_sum3A_75 [0] : vector<1000x256xf32> to vector<256xf32>
    %broadcast_in_dim3A_77 = vector.shape_cast %reduce_sum3A_76 : vector<256xf32> to vector<1x256xf32>
    %add3A_78 = arith.addf %get3A_73, %broadcast_in_dim3A_77 : vector<1x256xf32>
    %swap3A_79 = arith.constant 0 : index
    %swap3A_80 = arith.constant 0 : index
    %swap3A_81 = vector.load %arg12[%swap3A_79, %swap3A_80] : memref<1x256xf32, #tpu.memory_space<vmem>>, vector<1x256xf32>
    tpu.vector_store %arg12[%swap3A_79, %swap3A_80], %add3A_78 {strides = array<i32>} : memref<1x256xf32, #tpu.memory_space<vmem>>, vector<1x256xf32>,
    %eq3A_82 = arith.constant 9 : i32
    %eq3A_83 = arith.cmpi eq, %arg0, %eq3A_82 : i32
    %convert_element_type3A_84 = arith.extui %eq3A_83 : i1 to i32
    %cond3A_85 = arith.constant 0 : i32
    %cond3A_86 = arith.cmpi ne, %convert_element_type3A_84, %cond3A_85 : i32
    scf.if %cond3A_86 {
      %get3A_87 = arith.constant 0 : index
      %get3A_88 = arith.constant 0 : index
      %get3A_89 = vector.load %arg11[%get3A_87, %get3A_88] : memref<1x256xf32, #tpu.memory_space<vmem>>, vector<1x256xf32>
      %swap3A_90 = arith.constant 0 : index
      %swap3A_91 = arith.constant 0 : index
      %swap3A_92 = vector.load %arg10[%swap3A_90, %swap3A_91] : memref<2x256xf32, #tpu.memory_space<vmem>>, vector<1x256xf32>
      tpu.vector_store %arg10[%swap3A_90, %swap3A_91], %get3A_89 {strides = array<i32>} : memref<2x256xf32, #tpu.memory_space<vmem>>, vector<1x256xf32>,
      %get3A_93 = arith.constant 0 : index
      %get3A_94 = arith.constant 0 : index
      %get3A_95 = vector.load %arg12[%get3A_93, %get3A_94] : memref<1x256xf32, #tpu.memory_space<vmem>>, vector<1x256xf32>
      %swap3A_96 = arith.constant 1 : index
      %swap3A_97 = arith.constant 0 : index
      %swap3A_98 = vector.load %arg10[%swap3A_96, %swap3A_97] : memref<2x256xf32, #tpu.memory_space<vmem>>, vector<1x256xf32>
      tpu.vector_store %arg10[%swap3A_96, %swap3A_97], %get3A_95 {strides = array<i32>} : memref<2x256xf32, #tpu.memory_space<vmem>>, vector<1x256xf32>,
    } else {
    }
    return
  }
  func.func @transform_0(%arg0: i32) -> (i32, i32) {
    %c0_i32 = arith.constant 0 : i32
    %c0_i32_0 = arith.constant 0 : i32
    return %arg0, %c0_i32 : i32, i32
  }
  func.func @transform_1(%arg0: i32) -> (i32, i32) {
    %c0_i32 = arith.constant 0 : i32
    %c0_i32_0 = arith.constant 0 : i32
    %c0_i32_1 = arith.constant 0 : i32
    return %c0_i32, %c0_i32_0 : i32, i32
  }
  func.func @transform_2(%arg0: i32) -> (i32, i32) {
    %c0_i32 = arith.constant 0 : i32
    %c0_i32_0 = arith.constant 0 : i32
    %c0_i32_1 = arith.constant 0 : i32
    return %c0_i32, %c0_i32_0 : i32, i32
  }
  func.func @transform_3(%arg0: i32) -> (i32, i32) {
    %c0_i32 = arith.constant 0 : i32
    %c0_i32_0 = arith.constant 0 : i32
    %c0_i32_1 = arith.constant 0 : i32
    return %c0_i32, %c0_i32_0 : i32, i32
  }
  func.func @transform_4(%arg0: i32) -> (i32, i32) {
    %c0_i32 = arith.constant 0 : i32
    %c0_i32_0 = arith.constant 0 : i32
    return %arg0, %c0_i32 : i32, i32
  }
  func.func @transform_5(%arg0: i32) -> (i32, i32) {
    %c0_i32 = arith.constant 0 : i32
    %c0_i32_0 = arith.constant 0 : i32
    return %arg0, %c0_i32 : i32, i32
  }
  func.func @transform_6(%arg0: i32) -> (i32, i32) {
    %c0_i32 = arith.constant 0 : i32
    %c0_i32_0 = arith.constant 0 : i32
    %c0_i32_1 = arith.constant 0 : i32
    return %c0_i32, %c0_i32_0 : i32, i32
  }
  func.func @transform_7(%arg0: i32) -> (i32, i32) {
    %c0_i32 = arith.constant 0 : i32
    %c0_i32_0 = arith.constant 0 : i32
    %c0_i32_1 = arith.constant 0 : i32
    return %c0_i32, %c0_i32_0 : i32, i32
  }
  func.func @transform_8(%arg0: i32) -> (i32, i32) {
    %c0_i32 = arith.constant 0 : i32
    %c0_i32_0 = arith.constant 0 : i32
    return %arg0, %c0_i32 : i32, i32
  }
  func.func @transform_9(%arg0: i32) -> (i32, i32) {
    %c0_i32 = arith.constant 0 : i32
    %c0_i32_0 = arith.constant 0 : i32
    %c0_i32_1 = arith.constant 0 : i32
    return %c0_i32, %c0_i32_0 : i32, i32
  }
}

</mosaic_0001>

<sc_bundles>
// kernel: kernel.12.cloned.1.call-start
scs
__scs_entry_jumppad:
0x0: {  	(pc) =	sbr.rel $0x88, $3  }
0x1: {  	(tag) =	ssettag $0x0;
	lr =	simm.s32 $0x1  }
0x2: {  	[smem:$0x3F8F] =	sst lr;
	_ =	strace $0xD0000000  }
0x3: {  	_ = 	snop  }
0x4: {  	_ = 	snop  }
0x5: {  	_ = 	snop  }
0x6: {  	_ = 	snop  }
0x7: {  	_ = 	snop  }
__scs_overlays_trampoline_lowered:
0x8: {  	[smem:$0x3F9E] =	sst s0  }
0x9: {  	[smem:$0x3F9F] =	sst s1  }
0xa: {  	[smem:$0x3FA0] =	sst s2  }
0xb: {  	[smem:$0x3FA1] =	sst s3  }
0xc: {  	[smem:$0x3FA2] =	sst s4  }
0xd: {  	[smem:$0x3FA3] =	sst s5  }
0xe: {  	[smem:$0x3FA4] =	sst s6  }
0xf: {  	[smem:$0x3FA5] =	sst s7  }
0x10: {  	[smem:$0x3FA6] =	sst s8  }
0x11: {  	[smem:$0x3FA7] =	sst s9;
	s0 =	simm.s32 @!p0 $0x0  }
0x12: {  	s1 =	sld [smem:$0x3F8D];
	s0 =	simm.s32 @p0 $0x1  }
0x13: {  	[smem:$0x3FA8] =	sst s0;
	s0 =	simm.s32 @!p1 $0x0  }
0x14: {  	s2 =	sld [smem:$0x3F8C];
	s0 =	simm.s32 @p1 $0x1  }
0x15: {  	[smem:$0x3FA9] =	sst s0;
	s0 =	simm.s32 @!p2 $0x0  }
0x16: {  	s3 =	sld [smem:$0x3FDB];
	s0 =	simm.s32 @p2 $0x1  }
0x17: {  	s4 =	simm.s32 $0x1BF5;
	[smem:$0x3FAB] =	sst s0  }
0x18: {  	s0 =	sld [smem:$0x3F8E];
	_ =	swait.ge [sflag:s4], $0x0  }
0x19: {  	s7 =	sld [smem:$0x3F8F]  }
0x1a: {  	s8 =	sadd.s32 $0xFFFFE003, lr  }
0x1b: {  	s9 =	sadd.s32 $0xFFFFFEF7, lr;
	s5 =	simm.s32 $0xFFFFFFFF;
	p2 =	slt.u32 s8, $0xFFFFF086  }
0x1c: {  	p1 =	slt.u32 s9, $0xF7A;
	s5 =	simm.s32 @!p2 $0x0  }
0x1d: {  	s5 =	simm.s32 @p1 $0x1;
	p0 =	seq.s32 s7, s2  }
0x1e: {  	s7 =	smul.u32 @!p0 $0xF7A, s2;
	p2 =	seq.s32 @!p0 s5, $0x0  }
0x1f: {  	s9 =	smul.u32 $0xF7A, s1;
	s8 =	simm.s32 @!p0 $0x1BF5;
	p2 =	por !p2, p0  }
0x20: {  	[sflag:s8] =	ssyncset.s32 @!p0 $0xFFFFF086;
	s6 =	sadd.s32 @!p0 s3, s7;
	s7 =	simm.s32 @!p0 $0x108  }
0x21: {  	s3 =	sadd.s32 s3, s9;
	s6 =	sadd.s32 @!p0 $0x88, s6;
	s7 =	simm.s32 @p2 $0x1082  }
0x22: {  	[simem:s7], [sflag:s8] =	dma.local @!p0 [hbm:s6], $0xF7A  }
0x23: {  	s9 =	sor.u32 $0xD0000000, s2;
	s6 =	simm.s32 $0x108;
	_ =	swait.ge @!p0 [sflag:s8], $0x0  }
0x24: {  	s3 =	sadd.s32 $0x88, s3;
	s6 =	simm.s32 @!p1 $0x1082;
	[sflag:s4] =	ssyncset.s32 $0xFFFFF086  }
0x25: {  	[simem:s6], [sflag:s4] =	dma.local [hbm:s3], $0xF7A  }
0x26: {  	[smem:$0x3F8F] =	sst s1;
	(tag) =	ssettag s2;
	_ =	strace s9  }
0x27: {  	s1 =	sld [smem:$0x3F9F]  }
0x28: {  	s2 =	sld [smem:$0x3FA0]  }
0x29: {  	s4 =	sld [smem:$0x3FA2]  }
0x2a: {  	p0 =	seq.s32 s5, $0x0;
	s5 =	sld [smem:$0x3FA3]  }
0x2b: {  	s6 =	sld [smem:$0x3FA4]  }
0x2c: {  	s7 =	sld [smem:$0x3FA5]  }
0x2d: {  	s3 =	simm.s32 $0x108;
	s8 =	sld [smem:$0x3FA6]  }
0x2e: {  	s3 =	simm.s32 @!p0 $0x1082;
	s9 =	sld [smem:$0x3FA7]  }
0x2f: {  	lr =	sadd.s32 s0, s3;
	s0 =	sld [smem:$0x3F9E]  }
0x30: {  	s3 =	sld [smem:$0x3FA1]  }
0x31: {  	[smem:$0x3FAA] =	sst s10  }
0x32: {  	s10 =	sld [smem:$0x3FA8];
	_ =	sdelay $0x3  }
0x33: {  	p0 =	seq.s32 s10, $0x1;
	s10 =	sld [smem:$0x3FAA];
	_ =	sdelay $0x3  }
0x34: {  	[smem:$0x3FAA] =	sst s10  }
0x35: {  	s10 =	sld [smem:$0x3FA9];
	_ =	sdelay $0x3  }
0x36: {  	p1 =	seq.s32 s10, $0x1;
	s10 =	sld [smem:$0x3FAA];
	_ =	sdelay $0x3  }
0x37: {  	[smem:$0x3FAA] =	sst s10  }
0x38: {  	s10 =	sld [smem:$0x3FAB]  }
0x39: {  	_ = 	snop;
	(pc) =	sbr.ind lr, $3  }
0x3a: {  	_ = 	snop  }
0x3b: {  	_ = 	snop  }
0x3c: {  	p2 =	seq.s32 s10, $0x1;
	s10 =	sld [smem:$0x3FAA]  }
0x3d: {  	_ =	shalt  }
0x3e: {  	_ =	shalt  }
0x3f: {  	_ =	shalt  }
0x40: {  	_ =	shalt  }
0x41: {  	_ =	shalt  }
0x42: {  	_ =	shalt  }
0x43: {  	_ =	shalt  }
0x44: {  	_ =	shalt  }
0x45: {  	_ =	shalt  }
0x46: {  	_ =	shalt  }
0x47: {  	_ =	shalt  }
0x48: {  	_ =	shalt  }
0x49: {  	_ =	shalt  }
0x4a: {  	_ =	shalt  }
0x4b: {  	_ =	shalt  }
0x4c: {  	_ =	shalt  }
0x4d: {  	_ =	shalt  }
0x4e: {  	_ =	shalt  }
0x4f: {  	_ =	shalt  }
0x50: {  	_ =	shalt  }
0x51: {  	_ =	shalt  }
0x52: {  	_ =	shalt  }
0x53: {  	_ =	shalt  }
0x54: {  	_ =	shalt  }
0x55: {  	_ =	shalt  }
0x56: {  	_ =	shalt  }
0x57: {  	_ =	shalt  }
0x58: {  	_ =	shalt  }
0x59: {  	_ =	shalt  }
0x5a: {  	_ =	shalt  }
0x5b: {  	_ =	shalt  }
0x5c: {  	_ =	shalt  }
0x5d: {  	_ =	shalt  }
0x5e: {  	_ =	shalt  }
0x5f: {  	_ =	shalt  }
0x60: {  	_ =	shalt  }
0x61: {  	_ =	shalt  }
0x62: {  	_ =	shalt  }
0x63: {  	_ =	shalt  }
0x64: {  	_ =	shalt  }
0x65: {  	_ =	shalt  }
0x66: {  	_ =	shalt  }
0x67: {  	_ =	shalt  }
0x68: {  	_ =	shalt  }
0x69: {  	_ =	shalt  }
0x6a: {  	_ =	shalt  }
0x6b: {  	_ =	shalt  }
0x6c: {  	_ =	shalt  }
0x6d: {  	_ =	shalt  }
0x6e: {  	_ =	shalt  }
0x6f: {  	_ =	shalt  }
0x70: {  	_ =	shalt  }
0x71: {  	_ =	shalt  }
0x72: {  	_ =	shalt  }
0x73: {  	_ =	shalt  }
0x74: {  	_ =	shalt  }
0x75: {  	_ =	shalt  }
0x76: {  	_ =	shalt  }
0x77: {  	_ =	shalt  }
0x78: {  	_ =	shalt  }
0x79: {  	_ =	shalt  }
0x7a: {  	_ =	shalt  }
0x7b: {  	_ =	shalt  }
0x7c: {  	_ =	shalt  }
0x7d: {  	_ =	shalt  }
0x7e: {  	_ =	shalt  }
0x7f: {  	_ =	shalt  }
0x80: {  	_ =	shalt  }
0x81: {  	_ =	shalt  }
0x82: {  	_ =	shalt  }
0x83: {  	_ =	shalt  }
0x84: {  	_ =	shalt  }
0x85: {  	_ =	shalt  }
0x86: {  	_ =	shalt  }
0x87: {  	_ =	shalt  }
.Lfunc_end0:
.L_simem_size_0:
called_computation.1_lowered:
.L_overlay_start_0:
0x88: {  	s2 =	sld [smem:$0x3FD9]  }
0x89: {  	s3 =	sld [smem:$0x3FFE];
	_ =	sdelay $0x1  }
0x8a: {  	s1 =	srdreg.scid  }
0x8b: {  	s0 =	sand.u32 $0x1, s1  }
0x8c: {  	s16 =	sshll.u32 s0, $0xA;
	s2 =	sadd.s32 s3, s2  }
0x8d: {  	s2 =	sadd.s32 s2, s16  }
0x8e: {  	[smem:$0x3FB6] =	sst s2  }
0x8f: {  	_ = 	snop  }
0x90: {  	(tm) =	ssettm $0x1  }
0x91: {  	s17 =	sld [smem:$0x3FFB];
	_ =	sdelay $0x3  }
0x92: {  	_ =	strace s17  }
0x93: {  	s2 =	sld [smem:$0x3FFC];
	_ =	sdelay $0x3  }
0x94: {  	_ =	strace s2  }
0x95: {  	s2 =	sld [smem:$0x3FFD];
	_ =	sdelay $0x3  }
0x96: {  	_ =	strace s2  }
0x97: {  	_ =	strace $0x8FFFFFFF  }
0x98: {  	s18 =	sld [smem:$0x3FDB];
	_ =	sdelay $0x1  }
0x99: {  	s19 =	simm.s32 $_scs_section_size  }
0x9a: {  	s4 =	simm.s32 $_size__tile_overlayer_lowered;
	s5 =	simm.s32 $_tile_overlayer_lowered  }
0x9b: {  	s22 =	simm.s32 $0x1BFF;
	s21 =	sshll.u32 s5, $0x1;
	s2 =	sadd.s32 s19, s18  }
0x9c: {  	s6 =	simm.s32 $0x0;
	s20 =	sshll.u32 s4, $0x1;
	s4 =	sadd.s32 s21, s2  }
0x9d: {  	[timem:s6], [sflag:s22] =	dma.local [hbm:s4], s20  }
0x9e: {  	_ =	swait.ge [sflag:s22], s20  }
0x9f: {  	s3 =	ssub.s32 $0x0, s20;
	[sflag:s22] =	ssyncset.done $0x0  }
0xa0: {  	[sflag:s22] =	ssyncadd.s32 s3;
	_ =	sdelay $0x1  }
0xa1: {  	s23 =	simm.s32 $0x1B8B  }
0xa2: {  	_ =	swait.ge [sflag:s23], $0x1  }
0xa3: {  	[sflag:s23] =	ssyncset.done $0x0  }
0xa4: {  	s25 =	simm.s32 $0x1B8E;
	s24 =	sld [smem:$0x3FFE];
	[sflag:s23] =	ssyncadd.s32 $0xFFFFFFFF  }
0xa5: {  	s26 =	simm.s32 $execute0_lowered;
	[smem:$0x3FD2] =	sst s25  }
0xa6: {  	s4 =	sshll.u32 s26, $0x1;
	_ =	strace $0x80000049;
	[dreg:$0x1] =	wrdreg $0xFFFFFFFF  }
0xa7: {  	s28 =	simm.s32 $_size_execute0_lowered;
	s2 =	sadd.s32 s2, s4;
	[dreg:$0x0] =	wrdreg $0x0  }
0xa8: {  	s4 =	sshll.u32 s28, $0x1;
	[dreg:$0x2] =	wrdreg s2  }
0xa9: {  	[dreg:$0x3] =	wrdreg s4  }
0xaa: {  	[dreg:$0x4] =	wrdreg $0xC0  }
0xab: {  	_ =	task [dreg:s6], $0x5FFFF  }
0xac: {  	[dreg:$0x1] =	wrdreg $0xFFFFFFFF  }
0xad: {  	[dreg:$0x0] =	wrdreg $0x60  }
0xae: {  	[dreg:$0x2] =	wrdreg s24  }
0xaf: {  	[dreg:$0x3] =	wrdreg $0x91800  }
0xb0: {  	[dreg:$0x4] =	wrdreg $0x9  }
0xb1: {  	_ =	task.clear_ibuf [dreg:s6], $0x5FFFF;
	_ =	strace $0x90000049  }
0xb2: {  	s29 =	simm.s32 $0x9;
	_ =	strace $0x8000004B  }
0xb3: {  	_ =	swait.ge [sflag:s29], $0x1  }
0xb4: {  	[sflag:s29] =	ssyncadd.s32 $0xFFFFFFFF  }
0xb5: {  	_ =	strace $0x9000004B  }
0xb6: {  	_ =	sfence  }
0xb7: {  	s30 =	sld [smem:$0x0];
	_ =	sdelay $0x2  }
0xb8: {  	s31 =	sshll.u32 s1, $0xD;
	s1 =	sshrl.u32 s1, $0x2  }
0xb9: {  	s3 =	sand.u32 $0x4000, s31;
	s1 =	sadd.s32 s1, s30  }
0xba: {  	s0 =	sor.u32 s3, s0;
	s1 =	sshll.u32 s1, $0x11  }
0xbb: {  	s0 =	sor.u32 s1, s0  }
0xbc: {  	s0 =	sadd.s32 $0x8F2B, s0  }
0xbd: {  	[sflag:s0] =	ssyncadd.remote.s32 $0x1  }
0xbe: {  	_ =	sfence.sel $0xFFFF  }
0xbf: {  	[dreg:$0x0] =	wrdreg $0xFFFFFFFF;
	(pc) =	sbr.abs _section_cstart, $3  }
0xc0: {  	[dreg:$0x1] =	wrdreg $0xFFFFFFFF  }
0xc1: {  	_ =	task.clear_ibuf [dreg:s6], $0x2FFFF;
	_ =	strace $0x9FFFFFFF  }
0xc2: {  	(tm) =	ssettm $0x7FFFFFFF  }
0xc3: {  	_ =	shalt  }
tec
execute0_lowered:
.L_overlay_start_1:
0x0: {  	(tag) =	ssettag $0x1  }
0x1: {  	s6 =	rddreg [dreg:$0x0];
	s0 =	srdreg.scid  }
0x2: {  	s2 =	rddreg [dreg:$0x1];
	s1 =	stileid.u32  }
0x3: {  	s3 =	simm.s32 $0x0;
	s14 =	simm.s32 $0x40;
	s15 =	simm.s32 $0x5000  }
0x4: {  	s16 =	simm.s32 $0x5180;
	s17 =	simm.s32 $0x5080;
	s18 =	simm.s32 $0x7180  }
0x5: {  	s19 =	simm.s32 $0x1;
	s20 =	simm.s32 $0x5100;
	s21 =	simm.s32 $0x0  }
0x6: {  	s7 =	sand.u32 $0x1, s0;
	s0 =	rddreg [dreg:$0x2];
	s8 =	smul.u32 $0x14000, s1  }
0x7: {  	s4 =	sshll.u32 s1, $0x1;
	[smem:$0x7FF] =	sst s3;
	s10 =	smul.u32 $0x50000, s1  }
0x8: {  	s11 =	sshll.u32 s1, $0x6;
	s5 =	smul.u32 $0x140000, s7;
	s4 =	sor.u32 s7, s4  }
0x9: {  	_ =	strace $0x8000004A;
	s31 =	ssub.s32 $0x2, s7;
	s9 =	smul.u32 $0x500, s4  }
0xa: {  	s4 =	sadd.s32 $0x42A00, s6;
	s7 =	sshrl.u32 s31, $0x1;
	s10 =	sshrl.u32 s10, $0x2  }
0xb: {  	s5 =	sadd.s32 s8, s5;
	s12 =	ssub.s32 s31, s7;
	s13 =	sadd.s32 s10, s2  }
0xc: {  	s29 =	sadd.s32 s9, s6;
	s30 =	sshrl.u32 s5, $0x3;
	s5 =	sadd.s32 $0x19000, s6  }
0xd: {  	s10 =	smax.u32 s12, $0x1;
	s12 =	simm.s32 $0x2;
	s9 =	sadd.s32 s30, s6  }
0xe: {  	s6 =	sor.u32 $0x1C02, s11;
	s7 =	sadd.s32 $0x5000, s29;
	s8 =	sadd.s32 $0xF000, s29  }
0xf: {  	s11 =	sshrl.u32 s13, $0x3;
	s13 =	simm.s32 $0x2800;
	s9 =	sadd.s32 $0x69C00, s9  }
.LBB2_1:
0x10: {  	[spmem:s11], [sflag:s6] =	dma.local [hbm:s5], $0x2800  }
0x11: {  	_ =	swait.ge [sflag:s12], $0x2800  }
0x12: {  	[sflag:s12] =	ssyncset.done $0x0  }
0x13: {  	[sflag:s12] =	ssyncadd.s32 $0xFFFFD800  }
0x14: {  	[tilespmem:s3], [sflag:$0x2] =	stream.linear.gather [hbm4b:s7+s3], $0x2800, $0x38;
	[tilespmem:$0x1D180] =	vst v63  }
0x15: {  	_ =	swait.ge [sflag:s12], $0x2800  }
0x16: {  	[sflag:s12] =	ssyncset.done $0x0  }
0x17: {  	[sflag:s12] =	ssyncadd.s32 $0xFFFFD800  }
0x18: {  	[tilespmem:s13], [sflag:$0x2] =	stream.linear.gather [hbm4b:s8+s3], $0x2800, $0x38;
	[tilespmem:$0x1D180] =	vst v63  }
0x19: {  	_ =	swait.ge [sflag:s12], $0x2800  }
0x1a: {  	[sflag:s12] =	ssyncset.done $0x0  }
0x1b: {  	[sflag:s12] =	ssyncadd.s32 $0xFFFFD800  }
0x1c: {  	s22 =	simm.s32 $0x0;
	[bflag:$0x0] =	sbarrier.arrive $0xFFFF  }
0x1d: {  	v0 =	vld [tilespmem:s22+$0x0];
	_ =	sdelay $0x4  }
0x1e: {  	[tilespmem:$0x5000] =	vst v0  }
0x1f: {  	v0 =	vld [tilespmem:s22+$0x10];
	_ =	sdelay $0x4  }
0x20: {  	[tilespmem:$0x5010] =	vst v0  }
0x21: {  	v0 =	vld [tilespmem:s22+$0x20];
	_ =	sdelay $0x4  }
0x22: {  	[tilespmem:$0x5020] =	vst v0  }
0x23: {  	v0 =	vld [tilespmem:s22+$0x30];
	_ =	sdelay $0x4  }
0x24: {  	[tilespmem:$0x5030] =	vst v0  }
0x25: {  	[tilespmem:s16], [sflag:$0x1] =	stream.indirect.gather [hbm4b:s4+s14], $0x80, s15, s14, $0xb8;
	[tilespmem:$0x1D180] =	vst v63  }
0x26: {  	v0 =	vld [tilespmem:s22+$0x40];
	_ =	sdelay $0x4  }
0x27: {  	[tilespmem:$0x5080] =	vst v0  }
0x28: {  	v0 =	vld [tilespmem:s22+$0x50];
	_ =	sdelay $0x4  }
0x29: {  	[tilespmem:$0x5090] =	vst v0  }
0x2a: {  	v0 =	vld [tilespmem:s22+$0x60];
	_ =	sdelay $0x4  }
0x2b: {  	[tilespmem:$0x50A0] =	vst v0  }
0x2c: {  	v0 =	vld [tilespmem:s22+$0x70];
	_ =	sdelay $0x4  }
0x2d: {  	[tilespmem:$0x50B0] =	vst v0  }
0x2e: {  	[tilespmem:s18], [sflag:$0x1] =	stream.indirect.gather [hbm4b:s4+s14], $0x80, s17, s14, $0xb8;
	[tilespmem:$0x1D180] =	vst v63  }
0x2f: {  	v0 =	vld [tilespmem:s22+$0x2800];
	_ =	sdelay $0x4  }
0x30: {  	[tilespmem:$0x5100] =	vst v0  }
0x31: {  	v0 =	vld [tilespmem:s22+$0x2810];
	_ =	sdelay $0x4  }
0x32: {  	[tilespmem:$0x5110] =	vst v0  }
0x33: {  	v0 =	vld [tilespmem:s22+$0x2820];
	_ =	sdelay $0x4  }
0x34: {  	[tilespmem:$0x5120] =	vst v0  }
0x35: {  	v0 =	vld [tilespmem:s22+$0x2830];
	_ =	sdelay $0x4  }
0x36: {  	[tilespmem:$0x5130] =	vst v0  }
0x37: {  	_ =	swait.ge [sflag:s19], $0x2000  }
0x38: {  	[sflag:s19] =	ssyncset.done $0x0  }
0x39: {  	[sflag:s19] =	ssyncadd.s32 $0xFFFFE000  }
0x3a: {  	[spmem:s2] =	stream.indirect.scatter.add.f32 [tilespmem:s16], [sflag:$0x2], $0x80, s20, s14, $0xb8;
	[tilespmem:$0x1D180] =	vst v63  }
0x3b: {  	_ =	swait.ge [sflag:s12], $0x2000  }
0x3c: {  	[sflag:s12] =	ssyncset.done $0x0  }
0x3d: {  	[sflag:s12] =	ssyncadd.s32 $0xFFFFE000  }
0x3e: {  	v63 =	vld [tilespmem:s22+$0x2840];
	_ =	sdelay $0x4  }
0x3f: {  	[tilespmem:$0x5100] =	vst v63  }
0x40: {  	v0 =	vld [tilespmem:s22+$0x2850];
	_ =	sdelay $0x4  }
0x41: {  	[tilespmem:$0x5110] =	vst v0  }
0x42: {  	v0 =	vld [tilespmem:s22+$0x2860];
	_ =	sdelay $0x4  }
0x43: {  	[tilespmem:$0x5120] =	vst v0  }
0x44: {  	v0 =	vld [tilespmem:s22+$0x2870];
	_ =	sdelay $0x4  }
0x45: {  	[tilespmem:$0x5130] =	vst v0  }
0x46: {  	_ =	swait.ge [sflag:s19], $0x2000  }
0x47: {  	[sflag:s19] =	ssyncset.done $0x0  }
0x48: {  	[sflag:s19] =	ssyncadd.s32 $0xFFFFE000  }
0x49: {  	[spmem:s2] =	stream.indirect.scatter.add.f32 [tilespmem:s18], [sflag:$0x2], $0x80, s20, s14, $0xb8;
	[tilespmem:$0x1D180] =	vst v63  }
0x4a: {  	_ =	swait.ge [sflag:s12], $0x2000  }
0x4b: {  	s25 =	simm.s32 $0x400;
	s22 =	simm.s32 $0x200;
	[sflag:s12] =	ssyncset.done $0x0  }
.LBB2_2:
0x4c: {  	s24 =	sshra.s32 s22, $0x2  }
0x4d: {  	[sflag:s12] =	ssyncadd.s32 $0xFFFFE000;
	s22 =	smov.u32 s25;
	s23 =	sadd.s32 $0x200, s25  }
0x4e: {  	p0 =	sne.s32 s25, $0x9E00;
	v0 =	vld [tilespmem:s24+$0x0];
	_ =	sdelay $0x4  }
0x4f: {  	[tilespmem:$0x5000] =	vst v0  }
0x50: {  	v0 =	vld [tilespmem:s24+$0x10];
	_ =	sdelay $0x4  }
0x51: {  	[tilespmem:$0x5010] =	vst v0  }
0x52: {  	v0 =	vld [tilespmem:s24+$0x20];
	_ =	sdelay $0x4  }
0x53: {  	[tilespmem:$0x5020] =	vst v0  }
0x54: {  	v0 =	vld [tilespmem:s24+$0x30];
	_ =	sdelay $0x4  }
0x55: {  	[tilespmem:$0x5030] =	vst v0  }
0x56: {  	[tilespmem:s16], [sflag:$0x1] =	stream.indirect.gather [hbm4b:s4+s14], $0x80, s15, s14, $0xb8;
	[tilespmem:$0x1D180] =	vst v63  }
0x57: {  	v0 =	vld [tilespmem:s24+$0x40];
	_ =	sdelay $0x4  }
0x58: {  	[tilespmem:$0x5080] =	vst v0  }
0x59: {  	v0 =	vld [tilespmem:s24+$0x50];
	_ =	sdelay $0x4  }
0x5a: {  	[tilespmem:$0x5090] =	vst v0  }
0x5b: {  	v0 =	vld [tilespmem:s24+$0x60];
	_ =	sdelay $0x4  }
0x5c: {  	[tilespmem:$0x50A0] =	vst v0  }
0x5d: {  	v0 =	vld [tilespmem:s24+$0x70];
	_ =	sdelay $0x4  }
0x5e: {  	[tilespmem:$0x50B0] =	vst v0  }
0x5f: {  	[tilespmem:s18], [sflag:$0x1] =	stream.indirect.gather [hbm4b:s4+s14], $0x80, s17, s14, $0xb8;
	[tilespmem:$0x1D180] =	vst v63  }
0x60: {  	v0 =	vld [tilespmem:s24+$0x2800];
	_ =	sdelay $0x4  }
0x61: {  	[tilespmem:$0x5100] =	vst v0  }
0x62: {  	v0 =	vld [tilespmem:s24+$0x2810];
	_ =	sdelay $0x4  }
0x63: {  	[tilespmem:$0x5110] =	vst v0  }
0x64: {  	v0 =	vld [tilespmem:s24+$0x2820];
	_ =	sdelay $0x4  }
0x65: {  	[tilespmem:$0x5120] =	vst v0  }
0x66: {  	v0 =	vld [tilespmem:s24+$0x2830];
	_ =	sdelay $0x4  }
0x67: {  	[tilespmem:$0x5130] =	vst v0  }
0x68: {  	_ =	swait.ge [sflag:s19], $0x2000  }
0x69: {  	[sflag:s19] =	ssyncset.done $0x0  }
0x6a: {  	[sflag:s19] =	ssyncadd.s32 $0xFFFFE000  }
0x6b: {  	[spmem:s2] =	stream.indirect.scatter.add.f32 [tilespmem:s16], [sflag:$0x2], $0x80, s20, s14, $0xb8;
	[tilespmem:$0x1D180] =	vst v63  }
0x6c: {  	_ =	swait.ge [sflag:s12], $0x2000  }
0x6d: {  	[sflag:s12] =	ssyncset.done $0x0  }
0x6e: {  	[sflag:s12] =	ssyncadd.s32 $0xFFFFE000  }
0x6f: {  	v0 =	vld [tilespmem:s24+$0x2840];
	_ =	sdelay $0x4  }
0x70: {  	[tilespmem:$0x5100] =	vst v0  }
0x71: {  	v0 =	vld [tilespmem:s24+$0x2850];
	_ =	sdelay $0x4  }
0x72: {  	[tilespmem:$0x5110] =	vst v0  }
0x73: {  	v0 =	vld [tilespmem:s24+$0x2860];
	_ =	sdelay $0x4  }
0x74: {  	[tilespmem:$0x5120] =	vst v0  }
0x75: {  	v0 =	vld [tilespmem:s24+$0x2870];
	_ =	sdelay $0x4  }
0x76: {  	[tilespmem:$0x5130] =	vst v0  }
0x77: {  	_ =	swait.ge [sflag:s19], $0x2000  }
.Ltmp0:
0x78: {  	[sflag:s19] =	ssyncset.done $0x0;
	(pc) =	sbr.rel @p0 .LBB2_2-.Ltmp0, $4  }
0x79: {  	[sflag:s19] =	ssyncadd.s32 $0xFFFFE000  }
0x7a: {  	[spmem:s2] =	stream.indirect.scatter.add.f32 [tilespmem:s18], [sflag:$0x2], $0x80, s20, s14, $0xb8;
	[tilespmem:$0x1D180] =	vst v63  }
0x7b: {  	_ =	swait.ge [sflag:s12], $0x2000  }
0x7c: {  	s25 =	smov.u32 s23;
	[sflag:s12] =	ssyncset.done $0x0  }
0x7d: {  	s22 =	sshra.s32 s22, $0x2;
	[sflag:s12] =	ssyncadd.s32 $0xFFFFE000  }
0x7e: {  	v0 =	vld [tilespmem:s22+$0x0];
	_ =	sdelay $0x4  }
0x7f: {  	[tilespmem:$0x5000] =	vst v0  }
0x80: {  	v0 =	vld [tilespmem:s22+$0x10];
	_ =	sdelay $0x4  }
0x81: {  	[tilespmem:$0x5010] =	vst v0  }
0x82: {  	v0 =	vld [tilespmem:s22+$0x20];
	_ =	sdelay $0x4  }
0x83: {  	[tilespmem:$0x5020] =	vst v0  }
0x84: {  	v0 =	vld [tilespmem:s22+$0x30];
	_ =	sdelay $0x4  }
0x85: {  	[tilespmem:$0x5030] =	vst v0  }
0x86: {  	[tilespmem:s16], [sflag:$0x1] =	stream.indirect.gather [hbm4b:s4+s14], $0x80, s15, s14, $0xb8;
	[tilespmem:$0x1D180] =	vst v63  }
0x87: {  	v0 =	vld [tilespmem:s22+$0x40];
	_ =	sdelay $0x4  }
0x88: {  	[tilespmem:$0x5080] =	vst v0  }
0x89: {  	v0 =	vld [tilespmem:s22+$0x50];
	_ =	sdelay $0x4  }
0x8a: {  	[tilespmem:$0x5090] =	vst v0  }
0x8b: {  	v0 =	vld [tilespmem:s22+$0x60];
	_ =	sdelay $0x4  }
0x8c: {  	[tilespmem:$0x50A0] =	vst v0  }
0x8d: {  	v0 =	vld [tilespmem:s22+$0x70];
	_ =	sdelay $0x4  }
0x8e: {  	[tilespmem:$0x50B0] =	vst v0  }
0x8f: {  	[tilespmem:s18], [sflag:$0x1] =	stream.indirect.gather [hbm4b:s4+s14], $0x80, s17, s14, $0xb8;
	[tilespmem:$0x1D180] =	vst v63  }
0x90: {  	v0 =	vld [tilespmem:s22+$0x2800];
	_ =	sdelay $0x4  }
0x91: {  	[tilespmem:$0x5100] =	vst v0  }
0x92: {  	v0 =	vld [tilespmem:s22+$0x2810];
	_ =	sdelay $0x4  }
0x93: {  	[tilespmem:$0x5110] =	vst v0  }
0x94: {  	v0 =	vld [tilespmem:s22+$0x2820];
	_ =	sdelay $0x4  }
0x95: {  	[tilespmem:$0x5120] =	vst v0  }
0x96: {  	v0 =	vld [tilespmem:s22+$0x2830];
	_ =	sdelay $0x4  }
0x97: {  	[tilespmem:$0x5130] =	vst v0  }
0x98: {  	_ =	swait.ge [sflag:s19], $0x2000  }
0x99: {  	[sflag:s19] =	ssyncset.done $0x0  }
0x9a: {  	[sflag:s19] =	ssyncadd.s32 $0xFFFFE000  }
0x9b: {  	[spmem:s2] =	stream.indirect.scatter.add.f32 [tilespmem:s16], [sflag:$0x2], $0x80, s20, s14, $0xb8;
	[tilespmem:$0x1D180] =	vst v63  }
0x9c: {  	_ =	swait.ge [sflag:s12], $0x2000  }
0x9d: {  	[sflag:s12] =	ssyncset.done $0x0  }
0x9e: {  	[sflag:s12] =	ssyncadd.s32 $0xFFFFE000  }
0x9f: {  	v63 =	vld [tilespmem:s22+$0x2840];
	_ =	sdelay $0x4  }
0xa0: {  	[tilespmem:$0x5100] =	vst v63  }
0xa1: {  	v0 =	vld [tilespmem:s22+$0x2850];
	_ =	sdelay $0x4  }
0xa2: {  	[tilespmem:$0x5110] =	vst v0  }
0xa3: {  	v0 =	vld [tilespmem:s22+$0x2860];
	_ =	sdelay $0x4  }
0xa4: {  	[tilespmem:$0x5120] =	vst v0  }
0xa5: {  	v0 =	vld [tilespmem:s22+$0x2870];
	_ =	sdelay $0x4  }
0xa6: {  	[tilespmem:$0x5130] =	vst v0  }
0xa7: {  	_ =	swait.ge [sflag:s19], $0x2000  }
0xa8: {  	[sflag:s19] =	ssyncset.done $0x0  }
0xa9: {  	[sflag:s19] =	ssyncadd.s32 $0xFFFFE000  }
0xaa: {  	[spmem:s2] =	stream.indirect.scatter.add.f32 [tilespmem:s18], [sflag:$0x2], $0x80, s20, s14, $0xb8;
	[tilespmem:$0x1D180] =	vst v63  }
0xab: {  	_ =	swait.ge [sflag:s12], $0x2000  }
0xac: {  	s21 =	sadd.s32 $0x1, s21;
	[sflag:s12] =	ssyncset.done $0x0  }
0xad: {  	p0 =	sne.s32 s21, s10;
	[sflag:s12] =	ssyncadd.s32 $0xFFFFE000  }
.Ltmp1:
0xae: {  	[bflag:$0x0] =	sbarrier.arrive $0xFFFF;
	(pc) =	sbr.rel @p0 .LBB2_1-.Ltmp1, $4  }
0xaf: {  	[hbm:s9], [sflag:s6] =	dma.local [spmem:s11], $0x2800  }
0xb0: {  	_ =	swait.ge [sflag:s12], $0x2800  }
0xb1: {  	[sflag:s12] =	ssyncset.done $0x0  }
0xb2: {  	[sflag:s12] =	ssyncadd.s32 $0xFFFFD800  }
0xb3: {  	_ =	sfence.sel $0x180000  }
0xb4: {  	[bflag:$0x0] =	sbarrier.arrive $0xFFFF  }
0xb5: {  	p0 =	sne.s32 s1, $0x0;
	_ =	strace $0x9000004A  }
0xb6: {  	s0 =	sadd.s32 @!p0 $0x100000, s0;
	[bflag:$0x2] =	sbarrier.arrive $0xFFFF  }
0xb7: {  	[sflag:s0] =	ssyncadd.tile.s32 @!p0 $0x1;
	_ =	shalt  }
.Lfunc_end2:
_tile_overlayer_lowered:
.L_overlay_start_2:
0xb8: {  	(tag) =	ssettag $0x2  }
0xb9: {  	s0 =	rddreg [dreg:$0x0];
	s2 =	stileid.u32  }
0xba: {  	s1 =	rddreg [dreg:$0x1];
	p0 =	sne.s32 s2, $0x0  }
0xbb: {  	s3 =	rddreg [dreg:$0x2];
	[bflag:$0x3] =	sbarrier.arrive $0xFFFF;
	s2 =	simm.s32 @!p0 $0x1C02  }
0xbc: {  	[timem:s3], [sflag:s2] =	dma.local @!p0 [hbm:s0], s1  }
0xbd: {  	s0 =	simm.s32 @!p0 $0x2  }
0xbe: {  	_ =	swait.ge @!p0 [sflag:s0], s1  }
0xbf: {  	s1 =	ssub.s32 @!p0 $0x0, s1;
	[sflag:s0] =	ssyncset.done @!p0 $0x0  }
0xc0: {  	[sflag:s0] =	ssyncadd.s32 @!p0 s1  }
0xc1: {  	[bflag:$0x3] =	sbarrier.arrive $0xFFFF  }
0xc2: {  	_ =	shalt  }

// kernel: kernel.9.cloned.1.call-start
scs
__scs_entry_jumppad:
0x0: {  	(pc) =	sbr.rel $0x88, $3  }
0x1: {  	(tag) =	ssettag $0x0;
	lr =	simm.s32 $0x1  }
0x2: {  	[smem:$0x3F8F] =	sst lr;
	_ =	strace $0xD0000000  }
0x3: {  	_ = 	snop  }
0x4: {  	_ = 	snop  }
0x5: {  	_ = 	snop  }
0x6: {  	_ = 	snop  }
0x7: {  	_ = 	snop  }
__scs_overlays_trampoline_lowered:
0x8: {  	[smem:$0x3F9E] =	sst s0  }
0x9: {  	[smem:$0x3F9F] =	sst s1  }
0xa: {  	[smem:$0x3FA0] =	sst s2  }
0xb: {  	[smem:$0x3FA1] =	sst s3  }
0xc: {  	[smem:$0x3FA2] =	sst s4  }
0xd: {  	[smem:$0x3FA3] =	sst s5  }
0xe: {  	[smem:$0x3FA4] =	sst s6  }
0xf: {  	[smem:$0x3FA5] =	sst s7  }
0x10: {  	[smem:$0x3FA6] =	sst s8  }
0x11: {  	[smem:$0x3FA7] =	sst s9;
	s0 =	simm.s32 @!p0 $0x0  }
0x12: {  	s1 =	sld [smem:$0x3F8D];
	s0 =	simm.s32 @p0 $0x1  }
0x13: {  	[smem:$0x3FA8] =	sst s0;
	s0 =	simm.s32 @!p1 $0x0  }
0x14: {  	s2 =	sld [smem:$0x3F8C];
	s0 =	simm.s32 @p1 $0x1  }
0x15: {  	[smem:$0x3FA9] =	sst s0;
	s0 =	simm.s32 @!p2 $0x0  }
0x16: {  	s3 =	sld [smem:$0x3FDB];
	s0 =	simm.s32 @p2 $0x1  }
0x17: {  	s4 =	simm.s32 $0x1BF5;
	[smem:$0x3FAB] =	sst s0  }
0x18: {  	s0 =	sld [smem:$0x3F8E];
	_ =	swait.ge [sflag:s4], $0x0  }
0x19: {  	s7 =	sld [smem:$0x3F8F]  }
0x1a: {  	s8 =	sadd.s32 $0xFFFFE003, lr  }
0x1b: {  	s9 =	sadd.s32 $0xFFFFFEF7, lr;
	s5 =	simm.s32 $0xFFFFFFFF;
	p2 =	slt.u32 s8, $0xFFFFF086  }
0x1c: {  	p1 =	slt.u32 s9, $0xF7A;
	s5 =	simm.s32 @!p2 $0x0  }
0x1d: {  	s5 =	simm.s32 @p1 $0x1;
	p0 =	seq.s32 s7, s2  }
0x1e: {  	s7 =	smul.u32 @!p0 $0xF7A, s2;
	p2 =	seq.s32 @!p0 s5, $0x0  }
0x1f: {  	s9 =	smul.u32 $0xF7A, s1;
	s8 =	simm.s32 @!p0 $0x1BF5;
	p2 =	por !p2, p0  }
0x20: {  	[sflag:s8] =	ssyncset.s32 @!p0 $0xFFFFF086;
	s6 =	sadd.s32 @!p0 s3, s7;
	s7 =	simm.s32 @!p0 $0x108  }
0x21: {  	s3 =	sadd.s32 s3, s9;
	s6 =	sadd.s32 @!p0 $0x88, s6;
	s7 =	simm.s32 @p2 $0x1082  }
0x22: {  	[simem:s7], [sflag:s8] =	dma.local @!p0 [hbm:s6], $0xF7A  }
0x23: {  	s9 =	sor.u32 $0xD0000000, s2;
	s6 =	simm.s32 $0x108;
	_ =	swait.ge @!p0 [sflag:s8], $0x0  }
0x24: {  	s3 =	sadd.s32 $0x88, s3;
	s6 =	simm.s32 @!p1 $0x1082;
	[sflag:s4] =	ssyncset.s32 $0xFFFFF086  }
0x25: {  	[simem:s6], [sflag:s4] =	dma.local [hbm:s3], $0xF7A  }
0x26: {  	[smem:$0x3F8F] =	sst s1;
	(tag) =	ssettag s2;
	_ =	strace s9  }
0x27: {  	s1 =	sld [smem:$0x3F9F]  }
0x28: {  	s2 =	sld [smem:$0x3FA0]  }
0x29: {  	s4 =	sld [smem:$0x3FA2]  }
0x2a: {  	p0 =	seq.s32 s5, $0x0;
	s5 =	sld [smem:$0x3FA3]  }
0x2b: {  	s6 =	sld [smem:$0x3FA4]  }
0x2c: {  	s7 =	sld [smem:$0x3FA5]  }
0x2d: {  	s3 =	simm.s32 $0x108;
	s8 =	sld [smem:$0x3FA6]  }
0x2e: {  	s3 =	simm.s32 @!p0 $0x1082;
	s9 =	sld [smem:$0x3FA7]  }
0x2f: {  	lr =	sadd.s32 s0, s3;
	s0 =	sld [smem:$0x3F9E]  }
0x30: {  	s3 =	sld [smem:$0x3FA1]  }
0x31: {  	[smem:$0x3FAA] =	sst s10  }
0x32: {  	s10 =	sld [smem:$0x3FA8];
	_ =	sdelay $0x3  }
0x33: {  	p0 =	seq.s32 s10, $0x1;
	s10 =	sld [smem:$0x3FAA];
	_ =	sdelay $0x3  }
0x34: {  	[smem:$0x3FAA] =	sst s10  }
0x35: {  	s10 =	sld [smem:$0x3FA9];
	_ =	sdelay $0x3  }
0x36: {  	p1 =	seq.s32 s10, $0x1;
	s10 =	sld [smem:$0x3FAA];
	_ =	sdelay $0x3  }
0x37: {  	[smem:$0x3FAA] =	sst s10  }
0x38: {  	s10 =	sld [smem:$0x3FAB]  }
0x39: {  	_ = 	snop;
	(pc) =	sbr.ind lr, $3  }
0x3a: {  	_ = 	snop  }
0x3b: {  	_ = 	snop  }
0x3c: {  	p2 =	seq.s32 s10, $0x1;
	s10 =	sld [smem:$0x3FAA]  }
0x3d: {  	_ =	shalt  }
0x3e: {  	_ =	shalt  }
0x3f: {  	_ =	shalt  }
0x40: {  	_ =	shalt  }
0x41: {  	_ =	shalt  }
0x42: {  	_ =	shalt  }
0x43: {  	_ =	shalt  }
0x44: {  	_ =	shalt  }
0x45: {  	_ =	shalt  }
0x46: {  	_ =	shalt  }
0x47: {  	_ =	shalt  }
0x48: {  	_ =	shalt  }
0x49: {  	_ =	shalt  }
0x4a: {  	_ =	shalt  }
0x4b: {  	_ =	shalt  }
0x4c: {  	_ =	shalt  }
0x4d: {  	_ =	shalt  }
0x4e: {  	_ =	shalt  }
0x4f: {  	_ =	shalt  }
0x50: {  	_ =	shalt  }
0x51: {  	_ =	shalt  }
0x52: {  	_ =	shalt  }
0x53: {  	_ =	shalt  }
0x54: {  	_ =	shalt  }
0x55: {  	_ =	shalt  }
0x56: {  	_ =	shalt  }
0x57: {  	_ =	shalt  }
0x58: {  	_ =	shalt  }
0x59: {  	_ =	shalt  }
0x5a: {  	_ =	shalt  }
0x5b: {  	_ =	shalt  }
0x5c: {  	_ =	shalt  }
0x5d: {  	_ =	shalt  }
0x5e: {  	_ =	shalt  }
0x5f: {  	_ =	shalt  }
0x60: {  	_ =	shalt  }
0x61: {  	_ =	shalt  }
0x62: {  	_ =	shalt  }
0x63: {  	_ =	shalt  }
0x64: {  	_ =	shalt  }
0x65: {  	_ =	shalt  }
0x66: {  	_ =	shalt  }
0x67: {  	_ =	shalt  }
0x68: {  	_ =	shalt  }
0x69: {  	_ =	shalt  }
0x6a: {  	_ =	shalt  }
0x6b: {  	_ =	shalt  }
0x6c: {  	_ =	shalt  }
0x6d: {  	_ =	shalt  }
0x6e: {  	_ =	shalt  }
0x6f: {  	_ =	shalt  }
0x70: {  	_ =	shalt  }
0x71: {  	_ =	shalt  }
0x72: {  	_ =	shalt  }
0x73: {  	_ =	shalt  }
0x74: {  	_ =	shalt  }
0x75: {  	_ =	shalt  }
0x76: {  	_ =	shalt  }
0x77: {  	_ =	shalt  }
0x78: {  	_ =	shalt  }
0x79: {  	_ =	shalt  }
0x7a: {  	_ =	shalt  }
0x7b: {  	_ =	shalt  }
0x7c: {  	_ =	shalt  }
0x7d: {  	_ =	shalt  }
0x7e: {  	_ =	shalt  }
0x7f: {  	_ =	shalt  }
0x80: {  	_ =	shalt  }
0x81: {  	_ =	shalt  }
0x82: {  	_ =	shalt  }
0x83: {  	_ =	shalt  }
0x84: {  	_ =	shalt  }
0x85: {  	_ =	shalt  }
0x86: {  	_ =	shalt  }
0x87: {  	_ =	shalt  }
.Lfunc_end0:
.L_simem_size_0:
called_computation_lowered:
.L_overlay_start_0:
0x88: {  	s2 =	sld [smem:$0x3FD9]  }
0x89: {  	s3 =	sld [smem:$0x3FFE];
	_ =	sdelay $0x1  }
0x8a: {  	s1 =	srdreg.scid  }
0x8b: {  	s0 =	sand.u32 $0x1, s1  }
0x8c: {  	s17 =	sshll.u32 s0, $0xA;
	s2 =	sadd.s32 s3, s2  }
0x8d: {  	s2 =	sadd.s32 s2, s17  }
0x8e: {  	[smem:$0x3FB6] =	sst s2  }
0x8f: {  	_ = 	snop  }
0x90: {  	s2 =	sld [smem:$0x3FC9]  }
0x91: {  	s18 =	sld [smem:$0x3FD0];
	(tm) =	ssettm $0x1  }
0x92: {  	s4 =	sld [smem:$0x3FFB];
	_ =	sdelay $0x3  }
0x93: {  	_ =	strace s4  }
0x94: {  	s4 =	sld [smem:$0x3FFC];
	_ =	sdelay $0x3  }
0x95: {  	_ =	strace s4  }
0x96: {  	s4 =	sld [smem:$0x3FFD];
	_ =	sdelay $0x3  }
0x97: {  	_ =	strace s4  }
0x98: {  	_ =	strace $0x8FFFFFFF  }
0x99: {  	s19 =	sld [smem:$0x3FDB];
	_ =	sdelay $0x1  }
0x9a: {  	s5 =	simm.s32 $_scs_section_size  }
0x9b: {  	s6 =	simm.s32 $_size__tile_overlayer_lowered;
	s7 =	simm.s32 $_tile_overlayer_lowered  }
0x9c: {  	s22 =	simm.s32 $0x1BFF;
	s21 =	sshll.u32 s7, $0x1;
	s4 =	sadd.s32 s5, s19  }
0x9d: {  	s8 =	simm.s32 $0x0;
	s20 =	sshll.u32 s6, $0x1;
	s6 =	sadd.s32 s21, s4  }
0x9e: {  	[timem:s8], [sflag:s22] =	dma.local [hbm:s6], s20  }
0x9f: {  	_ =	swait.ge [sflag:s22], s20  }
0xa0: {  	s5 =	ssub.s32 $0x0, s20;
	[sflag:s22] =	ssyncset.done $0x0  }
0xa1: {  	[sflag:s22] =	ssyncadd.s32 s5;
	_ =	sdelay $0x1  }
0xa2: {  	s23 =	simm.s32 $0x1B8B  }
0xa3: {  	_ =	swait.ge [sflag:s23], $0x1  }
0xa4: {  	[sflag:s23] =	ssyncset.done $0x0  }
0xa5: {  	s25 =	simm.s32 $0x1B8E;
	s24 =	sld [smem:$0x3FFE];
	[sflag:s23] =	ssyncadd.s32 $0xFFFFFFFF  }
0xa6: {  	s26 =	simm.s32 $execute0_lowered;
	[smem:$0x3FD2] =	sst s25  }
0xa7: {  	s6 =	sshll.u32 s26, $0x1;
	_ =	strace $0x80000046;
	[dreg:$0x1] =	wrdreg $0xFFFFFFFF  }
0xa8: {  	s28 =	simm.s32 $_size_execute0_lowered;
	s4 =	sadd.s32 s4, s6;
	[dreg:$0x0] =	wrdreg $0x0  }
0xa9: {  	s6 =	sshll.u32 s28, $0x1;
	[dreg:$0x2] =	wrdreg s4  }
0xaa: {  	[dreg:$0x3] =	wrdreg s6  }
0xab: {  	[dreg:$0x4] =	wrdreg $0xC0  }
0xac: {  	_ =	task [dreg:s8], $0x5FFFF  }
0xad: {  	[dreg:$0x1] =	wrdreg $0xFFFFFFFF  }
0xae: {  	[dreg:$0x0] =	wrdreg $0x60  }
0xaf: {  	[dreg:$0x2] =	wrdreg s2  }
0xb0: {  	[dreg:$0x3] =	wrdreg s24  }
0xb1: {  	[dreg:$0x4] =	wrdreg s18  }
0xb2: {  	[dreg:$0x5] =	wrdreg $0x91800  }
0xb3: {  	[dreg:$0x6] =	wrdreg $0x9  }
0xb4: {  	_ =	task.clear_ibuf [dreg:s8], $0x7FFFF;
	_ =	strace $0x90000046  }
0xb5: {  	s29 =	simm.s32 $0x9;
	_ =	strace $0x80000048  }
0xb6: {  	_ =	swait.ge [sflag:s29], $0x1  }
0xb7: {  	[sflag:s29] =	ssyncadd.s32 $0xFFFFFFFF  }
0xb8: {  	_ =	strace $0x90000048  }
0xb9: {  	_ =	sfence  }
0xba: {  	s30 =	sld [smem:$0x0];
	_ =	sdelay $0x2  }
0xbb: {  	s31 =	sshll.u32 s1, $0xD;
	s1 =	sshrl.u32 s1, $0x2  }
0xbc: {  	s3 =	sand.u32 $0x4000, s31;
	s1 =	sadd.s32 s1, s30  }
0xbd: {  	s0 =	sor.u32 s3, s0;
	s1 =	sshll.u32 s1, $0x11  }
0xbe: {  	s0 =	sor.u32 s1, s0  }
0xbf: {  	s0 =	sadd.s32 $0x8F2B, s0  }
0xc0: {  	[sflag:s0] =	ssyncadd.remote.s32 $0x1  }
0xc1: {  	_ =	sfence.sel $0xFFFF  }
0xc2: {  	[dreg:$0x0] =	wrdreg $0xFFFFFFFF;
	(pc) =	sbr.abs _section_cstart, $3  }
0xc3: {  	[dreg:$0x1] =	wrdreg $0xFFFFFFFF  }
0xc4: {  	_ =	task.clear_ibuf [dreg:s8], $0x2FFFF;
	_ =	strace $0x9FFFFFFF  }
0xc5: {  	(tm) =	ssettm $0x7FFFFFFF  }
tec
execute0_lowered:
.L_overlay_start_1:
0x0: {  	(tag) =	ssettag $0x1  }
0x1: {  	s1 =	rddreg [dreg:$0x0]  }
0x2: {  	s7 =	rddreg [dreg:$0x1]  }
0x3: {  	s2 =	srdreg.scid;
	s3 =	rddreg [dreg:$0x2]  }
0x4: {  	s0 =	stileid.u32;
	s4 =	rddreg [dreg:$0x3]  }
0x5: {  	s5 =	simm.s32 $0x0;
	s15 =	simm.s32 $0x2800;
	s16 =	simm.s32 $0x40  }
0x6: {  	s17 =	simm.s32 $0x5000;
	s18 =	simm.s32 $0x5180;
	s19 =	simm.s32 $0x5080  }
0x7: {  	s20 =	simm.s32 $0x7180;
	s21 =	simm.s32 $0x1;
	s22 =	simm.s32 $0x5100  }
0x8: {  	s23 =	simm.s32 $0x0;
	s6 =	sand.u32 $0x1, s2;
	s10 =	smul.u32 $0x14000, s0  }
0x9: {  	s24 =	sshll.u32 s0, $0x1;
	[smem:$0x7FF] =	sst s5;
	s28 =	smul.u32 $0x50000, s0  }
0xa: {  	s31 =	sshll.u32 s0, $0x6;
	s2 =	sor.u32 s6, s24;
	s9 =	smul.u32 $0x140000, s6  }
0xb: {  	s26 =	ssub.s32 $0x2, s6;
	s6 =	sadd.s32 $0x19000, s7;
	s8 =	smul.u32 $0x500, s2  }
0xc: {  	s2 =	rddreg [dreg:$0x4];
	_ =	strace $0x80000047;
	s29 =	sshrl.u32 s26, $0x1  }
0xd: {  	s30 =	sshrl.u32 s28, $0x2;
	s25 =	sadd.s32 s10, s9;
	s13 =	ssub.s32 s26, s29  }
0xe: {  	s14 =	sadd.s32 s30, s4;
	s11 =	sadd.s32 s8, s7;
	s8 =	sshrl.u32 s25, $0x3  }
0xf: {  	s12 =	sadd.s32 s8, s7;
	s7 =	sor.u32 $0x1C02, s31;
	s8 =	sadd.s32 $0x5000, s11  }
0x10: {  	s9 =	sadd.s32 $0xF000, s11;
	s10 =	sadd.s32 $0x1B800, s12;
	s11 =	sadd.s32 $0x6B800, s12  }
0x11: {  	s12 =	smax.u32 s13, $0x1;
	s13 =	sshrl.u32 s14, $0x3;
	s14 =	simm.s32 $0x2  }
.LBB2_1:
0x12: {  	[spmem:s13], [sflag:s7] =	dma.local [hbm:s6], $0x2800  }
0x13: {  	_ =	swait.ge [sflag:s14], $0x2800  }
0x14: {  	[sflag:s14] =	ssyncset.done $0x0  }
0x15: {  	[sflag:s14] =	ssyncadd.s32 $0xFFFFD800  }
0x16: {  	[tilespmem:s5], [sflag:$0x2] =	stream.linear.gather [hbm4b:s8+s5], $0x2800, $0x38;
	[tilespmem:$0x1D180] =	vst v63  }
0x17: {  	_ =	swait.ge [sflag:s14], $0x2800  }
0x18: {  	[sflag:s14] =	ssyncset.done $0x0  }
0x19: {  	[sflag:s14] =	ssyncadd.s32 $0xFFFFD800  }
0x1a: {  	[tilespmem:s15], [sflag:$0x2] =	stream.linear.gather [hbm4b:s9+s5], $0x2800, $0x38;
	[tilespmem:$0x1D180] =	vst v63  }
0x1b: {  	_ =	swait.ge [sflag:s14], $0x2800  }
0x1c: {  	[sflag:s14] =	ssyncset.done $0x0  }
0x1d: {  	[sflag:s14] =	ssyncadd.s32 $0xFFFFD800  }
0x1e: {  	s24 =	simm.s32 $0x0;
	[bflag:$0x0] =	sbarrier.arrive $0xFFFF  }
0x1f: {  	v0 =	vld [tilespmem:s24+$0x0];
	_ =	sdelay $0x4  }
0x20: {  	[tilespmem:$0x5000] =	vst v0  }
0x21: {  	v0 =	vld [tilespmem:s24+$0x10];
	_ =	sdelay $0x4  }
0x22: {  	[tilespmem:$0x5010] =	vst v0  }
0x23: {  	v0 =	vld [tilespmem:s24+$0x20];
	_ =	sdelay $0x4  }
0x24: {  	[tilespmem:$0x5020] =	vst v0  }
0x25: {  	v0 =	vld [tilespmem:s24+$0x30];
	_ =	sdelay $0x4  }
0x26: {  	[tilespmem:$0x5030] =	vst v0  }
0x27: {  	[tilespmem:s18], [sflag:$0x1] =	stream.indirect.gather [hbm4b:s1+s16], $0x80, s17, s16, $0xb8;
	[tilespmem:$0x1D180] =	vst v63  }
0x28: {  	v0 =	vld [tilespmem:s24+$0x40];
	_ =	sdelay $0x4  }
0x29: {  	[tilespmem:$0x5080] =	vst v0  }
0x2a: {  	v0 =	vld [tilespmem:s24+$0x50];
	_ =	sdelay $0x4  }
0x2b: {  	[tilespmem:$0x5090] =	vst v0  }
0x2c: {  	v0 =	vld [tilespmem:s24+$0x60];
	_ =	sdelay $0x4  }
0x2d: {  	[tilespmem:$0x50A0] =	vst v0  }
0x2e: {  	v0 =	vld [tilespmem:s24+$0x70];
	_ =	sdelay $0x4  }
0x2f: {  	[tilespmem:$0x50B0] =	vst v0  }
0x30: {  	[tilespmem:s20], [sflag:$0x1] =	stream.indirect.gather [hbm4b:s1+s16], $0x80, s19, s16, $0xb8;
	[tilespmem:$0x1D180] =	vst v63  }
0x31: {  	v0 =	vld [tilespmem:s24+$0x2800];
	_ =	sdelay $0x4  }
0x32: {  	[tilespmem:$0x5100] =	vst v0  }
0x33: {  	v0 =	vld [tilespmem:s24+$0x2810];
	_ =	sdelay $0x4  }
0x34: {  	[tilespmem:$0x5110] =	vst v0  }
0x35: {  	v0 =	vld [tilespmem:s24+$0x2820];
	_ =	sdelay $0x4  }
0x36: {  	[tilespmem:$0x5120] =	vst v0  }
0x37: {  	v0 =	vld [tilespmem:s24+$0x2830];
	_ =	sdelay $0x4  }
0x38: {  	[tilespmem:$0x5130] =	vst v0  }
0x39: {  	_ =	swait.ge [sflag:s21], $0x2000  }
0x3a: {  	[sflag:s21] =	ssyncset.done $0x0  }
0x3b: {  	[sflag:s21] =	ssyncadd.s32 $0xFFFFE000  }
0x3c: {  	[spmem:s4] =	stream.indirect.scatter.add.f32 [tilespmem:s18], [sflag:$0x2], $0x80, s22, s16, $0xb8;
	[tilespmem:$0x1D180] =	vst v63  }
0x3d: {  	_ =	swait.ge [sflag:s14], $0x2000  }
0x3e: {  	[sflag:s14] =	ssyncset.done $0x0  }
0x3f: {  	[sflag:s14] =	ssyncadd.s32 $0xFFFFE000  }
0x40: {  	v63 =	vld [tilespmem:s24+$0x2840];
	_ =	sdelay $0x4  }
0x41: {  	[tilespmem:$0x5100] =	vst v63  }
0x42: {  	v0 =	vld [tilespmem:s24+$0x2850];
	_ =	sdelay $0x4  }
0x43: {  	[tilespmem:$0x5110] =	vst v0  }
0x44: {  	v0 =	vld [tilespmem:s24+$0x2860];
	_ =	sdelay $0x4  }
0x45: {  	[tilespmem:$0x5120] =	vst v0  }
0x46: {  	v0 =	vld [tilespmem:s24+$0x2870];
	_ =	sdelay $0x4  }
0x47: {  	[tilespmem:$0x5130] =	vst v0  }
0x48: {  	_ =	swait.ge [sflag:s21], $0x2000  }
0x49: {  	[sflag:s21] =	ssyncset.done $0x0  }
0x4a: {  	[sflag:s21] =	ssyncadd.s32 $0xFFFFE000  }
0x4b: {  	[spmem:s4] =	stream.indirect.scatter.add.f32 [tilespmem:s20], [sflag:$0x2], $0x80, s22, s16, $0xb8;
	[tilespmem:$0x1D180] =	vst v63  }
0x4c: {  	_ =	swait.ge [sflag:s14], $0x2000  }
0x4d: {  	s28 =	simm.s32 $0x400;
	s24 =	simm.s32 $0x200;
	[sflag:s14] =	ssyncset.done $0x0  }
.LBB2_2:
0x4e: {  	s26 =	sshra.s32 s24, $0x2  }
0x4f: {  	[sflag:s14] =	ssyncadd.s32 $0xFFFFE000;
	s24 =	smov.u32 s28;
	s25 =	sadd.s32 $0x200, s28  }
0x50: {  	p0 =	sne.s32 s28, $0x9E00;
	v0 =	vld [tilespmem:s26+$0x0];
	_ =	sdelay $0x4  }
0x51: {  	[tilespmem:$0x5000] =	vst v0  }
0x52: {  	v0 =	vld [tilespmem:s26+$0x10];
	_ =	sdelay $0x4  }
0x53: {  	[tilespmem:$0x5010] =	vst v0  }
0x54: {  	v0 =	vld [tilespmem:s26+$0x20];
	_ =	sdelay $0x4  }
0x55: {  	[tilespmem:$0x5020] =	vst v0  }
0x56: {  	v0 =	vld [tilespmem:s26+$0x30];
	_ =	sdelay $0x4  }
0x57: {  	[tilespmem:$0x5030] =	vst v0  }
0x58: {  	[tilespmem:s18], [sflag:$0x1] =	stream.indirect.gather [hbm4b:s1+s16], $0x80, s17, s16, $0xb8;
	[tilespmem:$0x1D180] =	vst v63  }
0x59: {  	v0 =	vld [tilespmem:s26+$0x40];
	_ =	sdelay $0x4  }
0x5a: {  	[tilespmem:$0x5080] =	vst v0  }
0x5b: {  	v0 =	vld [tilespmem:s26+$0x50];
	_ =	sdelay $0x4  }
0x5c: {  	[tilespmem:$0x5090] =	vst v0  }
0x5d: {  	v0 =	vld [tilespmem:s26+$0x60];
	_ =	sdelay $0x4  }
0x5e: {  	[tilespmem:$0x50A0] =	vst v0  }
0x5f: {  	v0 =	vld [tilespmem:s26+$0x70];
	_ =	sdelay $0x4  }
0x60: {  	[tilespmem:$0x50B0] =	vst v0  }
0x61: {  	[tilespmem:s20], [sflag:$0x1] =	stream.indirect.gather [hbm4b:s1+s16], $0x80, s19, s16, $0xb8;
	[tilespmem:$0x1D180] =	vst v63  }
0x62: {  	v0 =	vld [tilespmem:s26+$0x2800];
	_ =	sdelay $0x4  }
0x63: {  	[tilespmem:$0x5100] =	vst v0  }
0x64: {  	v0 =	vld [tilespmem:s26+$0x2810];
	_ =	sdelay $0x4  }
0x65: {  	[tilespmem:$0x5110] =	vst v0  }
0x66: {  	v0 =	vld [tilespmem:s26+$0x2820];
	_ =	sdelay $0x4  }
0x67: {  	[tilespmem:$0x5120] =	vst v0  }
0x68: {  	v0 =	vld [tilespmem:s26+$0x2830];
	_ =	sdelay $0x4  }
0x69: {  	[tilespmem:$0x5130] =	vst v0  }
0x6a: {  	_ =	swait.ge [sflag:s21], $0x2000  }
0x6b: {  	[sflag:s21] =	ssyncset.done $0x0  }
0x6c: {  	[sflag:s21] =	ssyncadd.s32 $0xFFFFE000  }
0x6d: {  	[spmem:s4] =	stream.indirect.scatter.add.f32 [tilespmem:s18], [sflag:$0x2], $0x80, s22, s16, $0xb8;
	[tilespmem:$0x1D180] =	vst v63  }
0x6e: {  	_ =	swait.ge [sflag:s14], $0x2000  }
0x6f: {  	[sflag:s14] =	ssyncset.done $0x0  }
0x70: {  	[sflag:s14] =	ssyncadd.s32 $0xFFFFE000  }
0x71: {  	v0 =	vld [tilespmem:s26+$0x2840];
	_ =	sdelay $0x4  }
0x72: {  	[tilespmem:$0x5100] =	vst v0  }
0x73: {  	v0 =	vld [tilespmem:s26+$0x2850];
	_ =	sdelay $0x4  }
0x74: {  	[tilespmem:$0x5110] =	vst v0  }
0x75: {  	v0 =	vld [tilespmem:s26+$0x2860];
	_ =	sdelay $0x4  }
0x76: {  	[tilespmem:$0x5120] =	vst v0  }
0x77: {  	v0 =	vld [tilespmem:s26+$0x2870];
	_ =	sdelay $0x4  }
0x78: {  	[tilespmem:$0x5130] =	vst v0  }
0x79: {  	_ =	swait.ge [sflag:s21], $0x2000  }
.Ltmp0:
0x7a: {  	[sflag:s21] =	ssyncset.done $0x0;
	(pc) =	sbr.rel @p0 .LBB2_2-.Ltmp0, $4  }
0x7b: {  	[sflag:s21] =	ssyncadd.s32 $0xFFFFE000  }
0x7c: {  	[spmem:s4] =	stream.indirect.scatter.add.f32 [tilespmem:s20], [sflag:$0x2], $0x80, s22, s16, $0xb8;
	[tilespmem:$0x1D180] =	vst v63  }
0x7d: {  	_ =	swait.ge [sflag:s14], $0x2000  }
0x7e: {  	s28 =	smov.u32 s25;
	[sflag:s14] =	ssyncset.done $0x0  }
0x7f: {  	s24 =	sshra.s32 s24, $0x2;
	[sflag:s14] =	ssyncadd.s32 $0xFFFFE000  }
0x80: {  	v0 =	vld [tilespmem:s24+$0x0];
	_ =	sdelay $0x4  }
0x81: {  	[tilespmem:$0x5000] =	vst v0  }
0x82: {  	v0 =	vld [tilespmem:s24+$0x10];
	_ =	sdelay $0x4  }
0x83: {  	[tilespmem:$0x5010] =	vst v0  }
0x84: {  	v0 =	vld [tilespmem:s24+$0x20];
	_ =	sdelay $0x4  }
0x85: {  	[tilespmem:$0x5020] =	vst v0  }
0x86: {  	v0 =	vld [tilespmem:s24+$0x30];
	_ =	sdelay $0x4  }
0x87: {  	[tilespmem:$0x5030] =	vst v0  }
0x88: {  	[tilespmem:s18], [sflag:$0x1] =	stream.indirect.gather [hbm4b:s1+s16], $0x80, s17, s16, $0xb8;
	[tilespmem:$0x1D180] =	vst v63  }
0x89: {  	v0 =	vld [tilespmem:s24+$0x40];
	_ =	sdelay $0x4  }
0x8a: {  	[tilespmem:$0x5080] =	vst v0  }
0x8b: {  	v0 =	vld [tilespmem:s24+$0x50];
	_ =	sdelay $0x4  }
0x8c: {  	[tilespmem:$0x5090] =	vst v0  }
0x8d: {  	v0 =	vld [tilespmem:s24+$0x60];
	_ =	sdelay $0x4  }
0x8e: {  	[tilespmem:$0x50A0] =	vst v0  }
0x8f: {  	v0 =	vld [tilespmem:s24+$0x70];
	_ =	sdelay $0x4  }
0x90: {  	[tilespmem:$0x50B0] =	vst v0  }
0x91: {  	[tilespmem:s20], [sflag:$0x1] =	stream.indirect.gather [hbm4b:s1+s16], $0x80, s19, s16, $0xb8;
	[tilespmem:$0x1D180] =	vst v63  }
0x92: {  	v0 =	vld [tilespmem:s24+$0x2800];
	_ =	sdelay $0x4  }
0x93: {  	[tilespmem:$0x5100] =	vst v0  }
0x94: {  	v0 =	vld [tilespmem:s24+$0x2810];
	_ =	sdelay $0x4  }
0x95: {  	[tilespmem:$0x5110] =	vst v0  }
0x96: {  	v0 =	vld [tilespmem:s24+$0x2820];
	_ =	sdelay $0x4  }
0x97: {  	[tilespmem:$0x5120] =	vst v0  }
0x98: {  	v0 =	vld [tilespmem:s24+$0x2830];
	_ =	sdelay $0x4  }
0x99: {  	[tilespmem:$0x5130] =	vst v0  }
0x9a: {  	_ =	swait.ge [sflag:s21], $0x2000  }
0x9b: {  	[sflag:s21] =	ssyncset.done $0x0  }
0x9c: {  	[sflag:s21] =	ssyncadd.s32 $0xFFFFE000  }
0x9d: {  	[spmem:s4] =	stream.indirect.scatter.add.f32 [tilespmem:s18], [sflag:$0x2], $0x80, s22, s16, $0xb8;
	[tilespmem:$0x1D180] =	vst v63  }
0x9e: {  	_ =	swait.ge [sflag:s14], $0x2000  }
0x9f: {  	[sflag:s14] =	ssyncset.done $0x0  }
0xa0: {  	[sflag:s14] =	ssyncadd.s32 $0xFFFFE000  }
0xa1: {  	v61 =	vld [tilespmem:s24+$0x2840];
	_ =	sdelay $0x4  }
0xa2: {  	[tilespmem:$0x5100] =	vst v61  }
0xa3: {  	v0 =	vld [tilespmem:s24+$0x2850];
	_ =	sdelay $0x4  }
0xa4: {  	[tilespmem:$0x5110] =	vst v0  }
0xa5: {  	v0 =	vld [tilespmem:s24+$0x2860];
	_ =	sdelay $0x4  }
0xa6: {  	[tilespmem:$0x5120] =	vst v0  }
0xa7: {  	v0 =	vld [tilespmem:s24+$0x2870];
	_ =	sdelay $0x4  }
0xa8: {  	[tilespmem:$0x5130] =	vst v0  }
0xa9: {  	_ =	swait.ge [sflag:s21], $0x2000  }
0xaa: {  	[sflag:s21] =	ssyncset.done $0x0  }
0xab: {  	[sflag:s21] =	ssyncadd.s32 $0xFFFFE000  }
0xac: {  	[spmem:s4] =	stream.indirect.scatter.add.f32 [tilespmem:s20], [sflag:$0x2], $0x80, s22, s16, $0xb8;
	[tilespmem:$0x1D180] =	vst v63  }
0xad: {  	_ =	swait.ge [sflag:s14], $0x2000  }
0xae: {  	[sflag:s14] =	ssyncset.done $0x0  }
0xaf: {  	[sflag:s14] =	ssyncadd.s32 $0xFFFFE000  }
0xb0: {  	[bflag:$0x0] =	sbarrier.arrive $0xFFFF  }
0xb1: {  	[hbm:s10], [sflag:s7] =	dma.local [spmem:s13], $0x2800  }
0xb2: {  	_ =	swait.ge [sflag:s14], $0x2800  }
0xb3: {  	[sflag:s14] =	ssyncset.done $0x0  }
0xb4: {  	[sflag:s14] =	ssyncadd.s32 $0xFFFFD800  }
0xb5: {  	[spmem:s13], [sflag:s7] =	dma.local [hbm:s6], $0x2800  }
0xb6: {  	_ =	swait.ge [sflag:s14], $0x2800  }
0xb7: {  	[sflag:s14] =	ssyncset.done $0x0  }
0xb8: {  	s30 =	simm.s32 $0x0;
	[sflag:s14] =	ssyncadd.s32 $0xFFFFD800  }
0xb9: {  	[tilespmem:s18], [sflag:$0x2] =	stream.linear.gather [hbm4b:s3+s30], $0x2000, $0x38;
	[tilespmem:$0x1D180] =	vst v63  }
0xba: {  	_ =	swait.ge [sflag:s14], $0x2000  }
0xbb: {  	[sflag:s14] =	ssyncset.done $0x0  }
0xbc: {  	[sflag:s14] =	ssyncadd.s32 $0xFFFFE000  }
0xbd: {  	s31 =	simm.s32 $0x0;
	[bflag:$0x0] =	sbarrier.arrive $0xFFFF  }
0xbe: {  	v62 =	vld [tilespmem:s31+$0x2800];
	_ =	sdelay $0x4  }
0xbf: {  	[tilespmem:$0x5100] =	vst v62  }
0xc0: {  	v0 =	vld [tilespmem:s31+$0x2810];
	_ =	sdelay $0x4  }
0xc1: {  	[tilespmem:$0x5110] =	vst v0  }
0xc2: {  	v0 =	vld [tilespmem:s31+$0x2820];
	_ =	sdelay $0x4  }
0xc3: {  	[tilespmem:$0x5120] =	vst v0  }
0xc4: {  	v0 =	vld [tilespmem:s31+$0x2830];
	_ =	sdelay $0x4  }
0xc5: {  	[tilespmem:$0x5130] =	vst v0  }
0xc6: {  	[spmem:s4] =	stream.indirect.scatter.add.f32 [tilespmem:s18], [sflag:$0x2], $0x80, s22, s16, $0xb8;
	[tilespmem:$0x1D180] =	vst v63  }
0xc7: {  	_ =	swait.ge [sflag:s14], $0x2000  }
0xc8: {  	[sflag:s14] =	ssyncset.done $0x0  }
0xc9: {  	[sflag:s14] =	ssyncadd.s32 $0xFFFFE000  }
0xca: {  	v63 =	vld [tilespmem:s31+$0x2840];
	_ =	sdelay $0x4  }
0xcb: {  	[tilespmem:$0x5100] =	vst v63  }
0xcc: {  	v0 =	vld [tilespmem:s31+$0x2850];
	_ =	sdelay $0x4  }
0xcd: {  	[tilespmem:$0x5110] =	vst v0  }
0xce: {  	v0 =	vld [tilespmem:s31+$0x2860];
	_ =	sdelay $0x4  }
0xcf: {  	[tilespmem:$0x5120] =	vst v0  }
0xd0: {  	v0 =	vld [tilespmem:s31+$0x2870];
	_ =	sdelay $0x4  }
0xd1: {  	[tilespmem:$0x5130] =	vst v0  }
0xd2: {  	[spmem:s4] =	stream.indirect.scatter.add.f32 [tilespmem:s18], [sflag:$0x2], $0x80, s22, s16, $0xb8;
	[tilespmem:$0x1D180] =	vst v63  }
0xd3: {  	_ =	swait.ge [sflag:s14], $0x2000  }
0xd4: {  	s28 =	simm.s32 $0x400;
	s24 =	simm.s32 $0x200;
	[sflag:s14] =	ssyncset.done $0x0  }
.LBB2_4:
0xd5: {  	s26 =	sshra.s32 s24, $0x2  }
0xd6: {  	[sflag:s14] =	ssyncadd.s32 $0xFFFFE000;
	s24 =	smov.u32 s28;
	s25 =	sadd.s32 $0x200, s28  }
0xd7: {  	p0 =	sne.s32 s28, $0x9E00;
	v0 =	vld [tilespmem:s26+$0x2800];
	_ =	sdelay $0x4  }
0xd8: {  	[tilespmem:$0x5100] =	vst v0  }
0xd9: {  	v0 =	vld [tilespmem:s26+$0x2810];
	_ =	sdelay $0x4  }
0xda: {  	[tilespmem:$0x5110] =	vst v0  }
0xdb: {  	v0 =	vld [tilespmem:s26+$0x2820];
	_ =	sdelay $0x4  }
0xdc: {  	[tilespmem:$0x5120] =	vst v0  }
0xdd: {  	v0 =	vld [tilespmem:s26+$0x2830];
	_ =	sdelay $0x4  }
0xde: {  	[tilespmem:$0x5130] =	vst v0  }
0xdf: {  	[spmem:s4] =	stream.indirect.scatter.add.f32 [tilespmem:s18], [sflag:$0x2], $0x80, s22, s16, $0xb8;
	[tilespmem:$0x1D180] =	vst v63  }
0xe0: {  	_ =	swait.ge [sflag:s14], $0x2000  }
0xe1: {  	[sflag:s14] =	ssyncset.done $0x0  }
0xe2: {  	[sflag:s14] =	ssyncadd.s32 $0xFFFFE000  }
0xe3: {  	v0 =	vld [tilespmem:s26+$0x2840];
	_ =	sdelay $0x4  }
0xe4: {  	[tilespmem:$0x5100] =	vst v0  }
0xe5: {  	v0 =	vld [tilespmem:s26+$0x2850];
	_ =	sdelay $0x4  }
0xe6: {  	[tilespmem:$0x5110] =	vst v0  }
0xe7: {  	v0 =	vld [tilespmem:s26+$0x2860];
	_ =	sdelay $0x4  }
0xe8: {  	[tilespmem:$0x5120] =	vst v0  }
0xe9: {  	v0 =	vld [tilespmem:s26+$0x2870];
	_ =	sdelay $0x3  }
.Ltmp1:
0xea: {  	(pc) =	sbr.rel @p0 .LBB2_4-.Ltmp1, $4  }
0xeb: {  	[tilespmem:$0x5130] =	vst v0  }
0xec: {  	[spmem:s4] =	stream.indirect.scatter.add.f32 [tilespmem:s18], [sflag:$0x2], $0x80, s22, s16, $0xb8;
	[tilespmem:$0x1D180] =	vst v63  }
0xed: {  	_ =	swait.ge [sflag:s14], $0x2000  }
0xee: {  	s28 =	smov.u32 s25;
	[sflag:s14] =	ssyncset.done $0x0  }
0xef: {  	s24 =	sshra.s32 s24, $0x2;
	[sflag:s14] =	ssyncadd.s32 $0xFFFFE000  }
0xf0: {  	v0 =	vld [tilespmem:s24+$0x2800];
	_ =	sdelay $0x4  }
0xf1: {  	[tilespmem:$0x5100] =	vst v0  }
0xf2: {  	v0 =	vld [tilespmem:s24+$0x2810];
	_ =	sdelay $0x4  }
0xf3: {  	[tilespmem:$0x5110] =	vst v0  }
0xf4: {  	v0 =	vld [tilespmem:s24+$0x2820];
	_ =	sdelay $0x4  }
0xf5: {  	[tilespmem:$0x5120] =	vst v0  }
0xf6: {  	v0 =	vld [tilespmem:s24+$0x2830];
	_ =	sdelay $0x4  }
0xf7: {  	[tilespmem:$0x5130] =	vst v0  }
0xf8: {  	[spmem:s4] =	stream.indirect.scatter.add.f32 [tilespmem:s18], [sflag:$0x2], $0x80, s22, s16, $0xb8;
	[tilespmem:$0x1D180] =	vst v63  }
0xf9: {  	_ =	swait.ge [sflag:s14], $0x2000  }
0xfa: {  	[sflag:s14] =	ssyncset.done $0x0  }
0xfb: {  	[sflag:s14] =	ssyncadd.s32 $0xFFFFE000  }
0xfc: {  	v63 =	vld [tilespmem:s24+$0x2840];
	_ =	sdelay $0x4  }
0xfd: {  	[tilespmem:$0x5100] =	vst v63  }
0xfe: {  	v0 =	vld [tilespmem:s24+$0x2850];
	_ =	sdelay $0x4  }
0xff: {  	[tilespmem:$0x5110] =	vst v0  }
0x100: {  	v0 =	vld [tilespmem:s24+$0x2860];
	_ =	sdelay $0x4  }
0x101: {  	[tilespmem:$0x5120] =	vst v0  }
0x102: {  	v0 =	vld [tilespmem:s24+$0x2870];
	_ =	sdelay $0x4  }
0x103: {  	[tilespmem:$0x5130] =	vst v0  }
0x104: {  	[spmem:s4] =	stream.indirect.scatter.add.f32 [tilespmem:s18], [sflag:$0x2], $0x80, s22, s16, $0xb8;
	[tilespmem:$0x1D180] =	vst v63  }
0x105: {  	_ =	swait.ge [sflag:s14], $0x2000  }
0x106: {  	s23 =	sadd.s32 $0x1, s23;
	[sflag:s14] =	ssyncset.done $0x0  }
0x107: {  	p0 =	sne.s32 s23, s12;
	[sflag:s14] =	ssyncadd.s32 $0xFFFFE000  }
.Ltmp2:
0x108: {  	[bflag:$0x0] =	sbarrier.arrive $0xFFFF;
	(pc) =	sbr.rel @p0 .LBB2_1-.Ltmp2, $4  }
0x109: {  	[hbm:s11], [sflag:s7] =	dma.local [spmem:s13], $0x2800  }
0x10a: {  	_ =	swait.ge [sflag:s14], $0x2800  }
0x10b: {  	[sflag:s14] =	ssyncset.done $0x0  }
0x10c: {  	[sflag:s14] =	ssyncadd.s32 $0xFFFFD800  }
0x10d: {  	_ =	sfence.sel $0x180000  }
0x10e: {  	[bflag:$0x0] =	sbarrier.arrive $0xFFFF  }
0x10f: {  	p0 =	sne.s32 s0, $0x0;
	_ =	strace $0x90000047  }
0x110: {  	s0 =	sadd.s32 @!p0 $0x100000, s2;
	[bflag:$0x2] =	sbarrier.arrive $0xFFFF  }
0x111: {  	[sflag:s0] =	ssyncadd.tile.s32 @!p0 $0x1;
	_ =	shalt  }
.Lfunc_end2:
_tile_overlayer_lowered:
.L_overlay_start_2:
0x112: {  	(tag) =	ssettag $0x2  }
0x113: {  	s0 =	rddreg [dreg:$0x0];
	s2 =	stileid.u32  }
0x114: {  	s1 =	rddreg [dreg:$0x1];
	p0 =	sne.s32 s2, $0x0  }
0x115: {  	s3 =	rddreg [dreg:$0x2];
	[bflag:$0x3] =	sbarrier.arrive $0xFFFF;
	s2 =	simm.s32 @!p0 $0x1C02  }
0x116: {  	[timem:s3], [sflag:s2] =	dma.local @!p0 [hbm:s0], s1  }
0x117: {  	s0 =	simm.s32 @!p0 $0x2  }
0x118: {  	_ =	swait.ge @!p0 [sflag:s0], s1  }
0x119: {  	s1 =	ssub.s32 @!p0 $0x0, s1;
	[sflag:s0] =	ssyncset.done @!p0 $0x0  }
0x11a: {  	[sflag:s0] =	ssyncadd.s32 @!p0 s1  }
0x11b: {  	[bflag:$0x3] =	sbarrier.arrive $0xFFFF  }
0x11c: {  	_ =	shalt  }

</sc_bundles>
